<compile_context>
chip_gen: v7x
topology: tpu7x:2x2x1
jax: 0.10.2.dev20260603
libtpu: 0.0.44.dev20260713+nightly
codegen_flags: <defaults>
</compile_context>

<pallas_src>
import functools

import jax
import jax.numpy as jnp
from jax import lax
from jax.experimental import pallas as pl
from jax.experimental.pallas import tpu as pltpu
from jax.experimental.pallas import tpu_sc as plsc

_B, _N, _IN_DIM, _OUT_DIM = 2, 2048, 128, 128
_TOP_K = 4
_BR = 512

_NC, _NS, _L = 2, 16, 16
_NW = _NC * _NS
_NODES_W = (_B * _N) // _NW
_ROWS_W = _NODES_W * _TOP_K
_NCHUNK = 4
_NODES_C = _NODES_W // _NCHUNK
_ROWS_C = _ROWS_W // _NCHUNK


def _topk_body(pos_blk, pos_t, x_blk, wt_ref, b_ref,
               gidx_ref, wexp_ref, xw_ref):
    pi = pos_blk[0]
    pj = pos_t[0]

    xw_ref[0] = jnp.dot(x_blk[0], wt_ref[...],
                        preferred_element_type=jnp.float32) + b_ref[...]

    dx = pi[:, 0:1] - pj[0:1, :]
    dy = pi[:, 1:2] - pj[1:2, :]
    dz = pi[:, 2:3] - pj[2:3, :]
    dsq = dx * dx + dy * dy + dz * dz
    dist = jnp.sqrt(dsq + 1e-8)
    adj = jnp.exp(-(dist * dist) * 0.5)

    col = jax.lax.broadcasted_iota(jnp.int32, adj.shape, 1)
    work = adj
    idxs, ws = [], []
    for _ in range(_TOP_K):
        m = jnp.max(work, axis=1, keepdims=True)
        idx = jnp.min(jnp.where(work == m, col, _N), axis=1, keepdims=True)
        work = jnp.where(col == idx, -1.0, work)
        idxs.append(idx)
        ws.append(m)

    s = ((ws[0] + ws[1]) + ws[2]) + ws[3] + 1e-8
    boff = pl.program_id(0) * _N
    gidx_ref[0] = jnp.concatenate([i + boff for i in idxs], axis=1)
    wexp_ref[0] = jnp.concatenate(
        [jnp.broadcast_to(w / s, (w.shape[0], _L)) for w in ws], axis=1)


def _sc_gather_body(xw_hbm, gidx_hbm, wexp_hbm, out_hbm,
                    idx_v, rows_v, w_v, acc_v, s0, s1, s2, s3):
    wid = lax.axis_index("s") * _NC + lax.axis_index("c")
    rbase = wid * _ROWS_W
    pltpu.sync_copy(gidx_hbm.at[pl.ds(rbase, _ROWS_W)], idx_v)
    sems = (s0, s1, s2, s3)
    copies = []
    for c in range(_NCHUNK):
        d = pl.ds(c * _ROWS_C, _ROWS_C)
        copies.append(
            pltpu.async_copy(xw_hbm.at[idx_v.at[d]], rows_v.at[d], sems[c]))
    pltpu.sync_copy(wexp_hbm.at[pl.ds(rbase * _L, _ROWS_W * _L)], w_v)

    def body(n, carry):
        r = n * _TOP_K
        w0 = w_v[pl.ds((r + 0) * _L, _L)]
        w1 = w_v[pl.ds((r + 1) * _L, _L)]
        w2 = w_v[pl.ds((r + 2) * _L, _L)]
        w3 = w_v[pl.ds((r + 3) * _L, _L)]
        for cc in range(_IN_DIM // _L):
            d = pl.ds(cc * _L, _L)
            acc = rows_v[r + 0, d] * w0
            acc = acc + rows_v[r + 1, d] * w1
            acc = acc + rows_v[r + 2, d] * w2
            acc = acc + rows_v[r + 3, d] * w3
            acc_v[n, d] = acc
        return carry

    for c in range(_NCHUNK):
        copies[c].wait()
        lax.fori_loop(c * _NODES_C, (c + 1) * _NODES_C, body, 0,
                      unroll=False)
    pltpu.sync_copy(acc_v, out_hbm.at[pl.ds(wid * _NODES_W, _NODES_W)])


_sc_gather = functools.partial(
    pl.kernel,
    out_type=jax.ShapeDtypeStruct((_B * _N, _OUT_DIM), jnp.float32),
    mesh=plsc.VectorSubcoreMesh(core_axis_name="c", subcore_axis_name="s"),
    scratch_types=[
        pltpu.VMEM((_ROWS_W,), jnp.int32),
        pltpu.VMEM((_ROWS_W, _OUT_DIM), jnp.float32),
        pltpu.VMEM((_ROWS_W * _L,), jnp.float32),
        pltpu.VMEM((_NODES_W, _OUT_DIM), jnp.float32),
        pltpu.SemaphoreType.DMA,
        pltpu.SemaphoreType.DMA,
        pltpu.SemaphoreType.DMA,
        pltpu.SemaphoreType.DMA,
    ],
)(_sc_gather_body)


@jax.jit
def kernel(x, pos, W, b):
    pos8 = jnp.pad(pos, ((0, 0), (0, 0), (0, 5)))
    pos_t = jnp.transpose(pos8, (0, 2, 1))
    wt = W.T
    b2 = b.reshape(1, _OUT_DIM)

    gidx, wexp, xw = pl.pallas_call(
        _topk_body,
        grid=(_B, _N // _BR),
        in_specs=[
            pl.BlockSpec((1, _BR, 8), lambda bi, i: (bi, i, 0)),
            pl.BlockSpec((1, 8, _N), lambda bi, i: (bi, 0, 0)),
            pl.BlockSpec((1, _BR, _IN_DIM), lambda bi, i: (bi, i, 0)),
            pl.BlockSpec((_IN_DIM, _OUT_DIM), lambda bi, i: (0, 0)),
            pl.BlockSpec((1, _OUT_DIM), lambda bi, i: (0, 0)),
        ],
        out_specs=[
            pl.BlockSpec((1, _BR, _TOP_K), lambda bi, i: (bi, i, 0)),
            pl.BlockSpec((1, _BR, _TOP_K * _L), lambda bi, i: (bi, i, 0)),
            pl.BlockSpec((1, _BR, _OUT_DIM), lambda bi, i: (bi, i, 0)),
        ],
        out_shape=[
            jax.ShapeDtypeStruct((_B, _N, _TOP_K), jnp.int32),
            jax.ShapeDtypeStruct((_B, _N, _TOP_K * _L), jnp.float32),
            jax.ShapeDtypeStruct((_B, _N, _OUT_DIM), jnp.float32),
        ],
    )(pos8, pos_t, x, wt, b2)

    xw2d = xw.reshape(_B * _N, _OUT_DIM)
    gidx_flat = gidx.reshape(_B * _N * _TOP_K)
    wexp_flat = wexp.reshape(_B * _N * _TOP_K * _L)
    out = _sc_gather(xw2d, gidx_flat, wexp_flat)
    return out.reshape(_B, _N, _OUT_DIM)

# --- scband reference (transcript-rebuilt; emitter-appended) ---
"""Pipeline reference for scband-gnnlayer-24790551232796 (READ-ONLY COPY).

The authoritative reference and input builder live on the scoring server;
editing this copy changes nothing except your own understanding.
"""

import jax, jax.numpy as jnp
import numpy as np

B, N, IN_DIM, OUT_DIM = 2, 2048, 128, 128
SIGMA = 1.0
TOP_K = 4


def setup_inputs(seed: int = 0) -> dict:
    key = jax.random.key(seed)
    k1, k2, k3, k4 = jax.random.split(key, 4)
    x = jax.random.normal(k1, (B, N, IN_DIM), dtype=jnp.float32)
    pos = jax.random.uniform(k2, (B, N, 3), dtype=jnp.float32)
    # nn.Linear(in_dim, out_dim) parameters
    bound = 1.0 / np.sqrt(IN_DIM)
    W = jax.random.uniform(k3, (OUT_DIM, IN_DIM), dtype=jnp.float32, minval=-bound, maxval=bound)
    b = jax.random.uniform(k4, (OUT_DIM,), dtype=jnp.float32, minval=-bound, maxval=bound)
    return {"x": x, "pos": pos, "W": W, "b": b}


def reference(x, pos, W, b):
    Bs, Ns, _ = x.shape
    # pairwise position differences: [B, N, N, 3]
    pos_diff = pos[:, :, None, :] - pos[:, None, :, :]
    dist = jnp.sqrt((pos_diff ** 2).sum(axis=-1) + 1e-08)
    adj = jnp.exp(-dist ** 2 / (2.0 * SIGMA ** 2))
    # top-k masking along last dim
    values, indices = jax.lax.top_k(adj, TOP_K)  # indices: [B, N, k]
    b_idx = jnp.arange(Bs)[:, None, None]
    r_idx = jnp.arange(Ns)[None, :, None]
    mask = jnp.zeros_like(adj).at[b_idx, r_idx, indices].set(1.0)
    adj = adj * mask
    adj = adj / (adj.sum(axis=-1, keepdims=True) + 1e-08)
    out = jnp.matmul(adj, x)          # [B, N, in_dim]
    out = jnp.matmul(out, W.T) + b    # linear -> [B, N, out_dim]
    return out

if __name__ == "__main__":
    import jax
    _d = setup_inputs()
    print(jax.jit(kernel)(*tuple(_d.values())))

</pallas_src>

<mosaic_0001>
#map = affine_map<(d0, d1) -> (0, 0)>
#map1 = affine_map<(d0, d1) -> (0)>
module attributes {stable_mosaic.version = 14 : i64} {
  func.func @_sc_gather_body(%arg0: i32, %arg1: i32, %arg2: memref<4096x128xf32, #tpu.memory_space<hbm>>, %arg3: memref<16384xi32, #tpu.memory_space<hbm>>, %arg4: memref<262144xf32, #tpu.memory_space<hbm>>, %arg5: memref<4096x128xf32, #tpu.memory_space<hbm>>, %arg6: memref<512xi32, #tpu.memory_space<vmem>>, %arg7: memref<512x128xf32, #tpu.memory_space<vmem>>, %arg8: memref<8192xf32, #tpu.memory_space<vmem>>, %arg9: memref<128x128xf32, #tpu.memory_space<vmem>>, %arg10: memref<!tpu.dma_semaphore, #tpu.memory_space<semaphore_mem>>, %arg11: memref<!tpu.dma_semaphore, #tpu.memory_space<semaphore_mem>>, %arg12: memref<!tpu.dma_semaphore, #tpu.memory_space<semaphore_mem>>, %arg13: memref<!tpu.dma_semaphore, #tpu.memory_space<semaphore_mem>>) attributes {dimension_semantics = [#tpu.dimension_semantics<core_parallel>, #tpu.dimension_semantics<subcore_parallel>], iteration_bounds = array<i64: 2, 16>, scalar_prefetch = 0 : i64, scratch_operands = 8 : i64, tpu.core_type = #tpu.core_type<sc_vector_subcore>, window_params = [{transform_indices = #map}, {transform_indices = #map1}, {transform_indices = #map1}, {transform_indices = #map}]} {
    %mul3A = arith.constant 2 : i32
    %mul3A_0 = arith.muli %arg1, %mul3A : i32
    %add3A = arith.addi %mul3A_0, %arg0 : i32
    %mul3A_1 = arith.constant 512 : i32
    %mul3A_2 = arith.muli %add3A, %mul3A_1 : i32
    "tpu.region"() ({
      %run_scoped3A = tpu.sem_alloc : memref<!tpu.dma_semaphore, #tpu.memory_space<semaphore_mem>>
      %dma_start3A_92 = tpu.memref_slice %arg3[%mul3A_2] : memref<16384xi32, #tpu.memory_space<hbm>> -> memref<512xi32, #tpu.memory_space<hbm>>
      %dma_start3A_93 = tpu.memref_slice %arg3[%mul3A_2] : memref<16384xi32, #tpu.memory_space<hbm>> -> memref<512xi32, #tpu.memory_space<hbm>>
      tpu.enqueue_dma source(%dma_start3A_93 : memref<512xi32, #tpu.memory_space<hbm>>) target(%arg6 : memref<512xi32, #tpu.memory_space<vmem>>) target_semaphore(%run_scoped3A : memref<!tpu.dma_semaphore, #tpu.memory_space<semaphore_mem>>)
      %dma_wait3A_94 = tpu.memref_slice %arg3[%mul3A_2] : memref<16384xi32, #tpu.memory_space<hbm>> -> memref<512xi32, #tpu.memory_space<hbm>>
      %dma_wait3A_95 = tpu.memref_slice %arg3[%mul3A_2] : memref<16384xi32, #tpu.memory_space<hbm>> -> memref<512xi32, #tpu.memory_space<hbm>>
      tpu.wait_dma2 semaphore(%run_scoped3A : memref<!tpu.dma_semaphore, #tpu.memory_space<semaphore_mem>>) src(%dma_wait3A_95 : memref<512xi32, #tpu.memory_space<hbm>>) dst(%arg6 : memref<512xi32, #tpu.memory_space<vmem>>)
      tpu.yield
    }) : () -> ()
    %dma_start3A = arith.constant 0 : i32
    %dma_start3A_3 = arith.constant 0 : i32
    %dma_start3A_4 = tpu.memref_slice %arg7[%dma_start3A, %dma_start3A_3] : memref<512x128xf32, #tpu.memory_space<vmem>> -> memref<128x128xf32, #tpu.memory_space<vmem>>
    %dma_start3A_5 = arith.constant 0 : i32
    %dma_start3A_6 = tpu.memref_slice %arg6[%dma_start3A_5] : memref<512xi32, #tpu.memory_space<vmem>> -> memref<128xi32, #tpu.memory_space<vmem>>
    %dma_start3A_7 = arith.constant 0 : i32
    %dma_start3A_8 = arith.constant 0 : i32
    %dma_start3A_9 = tpu.memref_slice %arg2[%dma_start3A_7, %dma_start3A_8] : memref<4096x128xf32, #tpu.memory_space<hbm>> -> memref<4096x128xf32, #tpu.memory_space<hbm>>
    tpu.enqueue_indirect_dma source(%dma_start3A_9 : memref<4096x128xf32, #tpu.memory_space<hbm>>) target(%dma_start3A_4 : memref<128x128xf32, #tpu.memory_space<vmem>>) offsets(%dma_start3A_6 : memref<128xi32, #tpu.memory_space<vmem>>) semaphore(%arg10 : memref<!tpu.dma_semaphore, #tpu.memory_space<semaphore_mem>>)
    %dma_start3A_10 = arith.constant 128 : i32
    %dma_start3A_11 = arith.constant 0 : i32
    %dma_start3A_12 = tpu.memref_slice %arg7[%dma_start3A_10, %dma_start3A_11] : memref<512x128xf32, #tpu.memory_space<vmem>> -> memref<128x128xf32, #tpu.memory_space<vmem>>
    %dma_start3A_13 = arith.constant 128 : i32
    %dma_start3A_14 = tpu.memref_slice %arg6[%dma_start3A_13] : memref<512xi32, #tpu.memory_space<vmem>> -> memref<128xi32, #tpu.memory_space<vmem>>
    %dma_start3A_15 = arith.constant 0 : i32
    %dma_start3A_16 = arith.constant 0 : i32
    %dma_start3A_17 = tpu.memref_slice %arg2[%dma_start3A_15, %dma_start3A_16] : memref<4096x128xf32, #tpu.memory_space<hbm>> -> memref<4096x128xf32, #tpu.memory_space<hbm>>
    tpu.enqueue_indirect_dma source(%dma_start3A_17 : memref<4096x128xf32, #tpu.memory_space<hbm>>) target(%dma_start3A_12 : memref<128x128xf32, #tpu.memory_space<vmem>>) offsets(%dma_start3A_14 : memref<128xi32, #tpu.memory_space<vmem>>) semaphore(%arg11 : memref<!tpu.dma_semaphore, #tpu.memory_space<semaphore_mem>>)
    %dma_start3A_18 = arith.constant 256 : i32
    %dma_start3A_19 = arith.constant 0 : i32
    %dma_start3A_20 = tpu.memref_slice %arg7[%dma_start3A_18, %dma_start3A_19] : memref<512x128xf32, #tpu.memory_space<vmem>> -> memref<128x128xf32, #tpu.memory_space<vmem>>
    %dma_start3A_21 = arith.constant 256 : i32
    %dma_start3A_22 = tpu.memref_slice %arg6[%dma_start3A_21] : memref<512xi32, #tpu.memory_space<vmem>> -> memref<128xi32, #tpu.memory_space<vmem>>
    %dma_start3A_23 = arith.constant 0 : i32
    %dma_start3A_24 = arith.constant 0 : i32
    %dma_start3A_25 = tpu.memref_slice %arg2[%dma_start3A_23, %dma_start3A_24] : memref<4096x128xf32, #tpu.memory_space<hbm>> -> memref<4096x128xf32, #tpu.memory_space<hbm>>
    tpu.enqueue_indirect_dma source(%dma_start3A_25 : memref<4096x128xf32, #tpu.memory_space<hbm>>) target(%dma_start3A_20 : memref<128x128xf32, #tpu.memory_space<vmem>>) offsets(%dma_start3A_22 : memref<128xi32, #tpu.memory_space<vmem>>) semaphore(%arg12 : memref<!tpu.dma_semaphore, #tpu.memory_space<semaphore_mem>>)
    %dma_start3A_26 = arith.constant 384 : i32
    %dma_start3A_27 = arith.constant 0 : i32
    %dma_start3A_28 = tpu.memref_slice %arg7[%dma_start3A_26, %dma_start3A_27] : memref<512x128xf32, #tpu.memory_space<vmem>> -> memref<128x128xf32, #tpu.memory_space<vmem>>
    %dma_start3A_29 = arith.constant 384 : i32
    %dma_start3A_30 = tpu.memref_slice %arg6[%dma_start3A_29] : memref<512xi32, #tpu.memory_space<vmem>> -> memref<128xi32, #tpu.memory_space<vmem>>
    %dma_start3A_31 = arith.constant 0 : i32
    %dma_start3A_32 = arith.constant 0 : i32
    %dma_start3A_33 = tpu.memref_slice %arg2[%dma_start3A_31, %dma_start3A_32] : memref<4096x128xf32, #tpu.memory_space<hbm>> -> memref<4096x128xf32, #tpu.memory_space<hbm>>
    tpu.enqueue_indirect_dma source(%dma_start3A_33 : memref<4096x128xf32, #tpu.memory_space<hbm>>) target(%dma_start3A_28 : memref<128x128xf32, #tpu.memory_space<vmem>>) offsets(%dma_start3A_30 : memref<128xi32, #tpu.memory_space<vmem>>) semaphore(%arg13 : memref<!tpu.dma_semaphore, #tpu.memory_space<semaphore_mem>>)
    %mul3A_34 = arith.constant 16 : i32
    %mul3A_35 = arith.muli %mul3A_2, %mul3A_34 : i32
    "tpu.region"() ({
      %run_scoped3A = tpu.sem_alloc : memref<!tpu.dma_semaphore, #tpu.memory_space<semaphore_mem>>
      %dma_start3A_92 = tpu.memref_slice %arg4[%mul3A_35] : memref<262144xf32, #tpu.memory_space<hbm>> -> memref<8192xf32, #tpu.memory_space<hbm>>
      %dma_start3A_93 = tpu.memref_slice %arg4[%mul3A_35] : memref<262144xf32, #tpu.memory_space<hbm>> -> memref<8192xf32, #tpu.memory_space<hbm>>
      tpu.enqueue_dma source(%dma_start3A_93 : memref<8192xf32, #tpu.memory_space<hbm>>) target(%arg8 : memref<8192xf32, #tpu.memory_space<vmem>>) target_semaphore(%run_scoped3A : memref<!tpu.dma_semaphore, #tpu.memory_space<semaphore_mem>>)
      %dma_wait3A_94 = tpu.memref_slice %arg4[%mul3A_35] : memref<262144xf32, #tpu.memory_space<hbm>> -> memref<8192xf32, #tpu.memory_space<hbm>>
      %dma_wait3A_95 = tpu.memref_slice %arg4[%mul3A_35] : memref<262144xf32, #tpu.memory_space<hbm>> -> memref<8192xf32, #tpu.memory_space<hbm>>
      tpu.wait_dma2 semaphore(%run_scoped3A : memref<!tpu.dma_semaphore, #tpu.memory_space<semaphore_mem>>) src(%dma_wait3A_95 : memref<8192xf32, #tpu.memory_space<hbm>>) dst(%arg8 : memref<8192xf32, #tpu.memory_space<vmem>>)
      tpu.yield
    }) : () -> ()
    %dma_wait3A = arith.constant 0 : i32
    %dma_wait3A_36 = arith.constant 0 : i32
    %dma_wait3A_37 = tpu.memref_slice %arg7[%dma_wait3A, %dma_wait3A_36] : memref<512x128xf32, #tpu.memory_space<vmem>> -> memref<128x128xf32, #tpu.memory_space<vmem>>
    %dma_wait3A_38 = arith.constant 0 : i32
    %dma_wait3A_39 = tpu.memref_slice %arg6[%dma_wait3A_38] : memref<512xi32, #tpu.memory_space<vmem>> -> memref<128xi32, #tpu.memory_space<vmem>>
    %dma_wait3A_40 = arith.constant 0 : i32
    %dma_wait3A_41 = arith.constant 0 : i32
    %dma_wait3A_42 = tpu.memref_slice %arg2[%dma_wait3A_40, %dma_wait3A_41] : memref<4096x128xf32, #tpu.memory_space<hbm>> -> memref<4096x128xf32, #tpu.memory_space<hbm>>
    tpu.wait_indirect_dma semaphore(%arg10 : memref<!tpu.dma_semaphore, #tpu.memory_space<semaphore_mem>>) src(%dma_wait3A_42 : memref<4096x128xf32, #tpu.memory_space<hbm>>) dst(%dma_wait3A_37 : memref<128x128xf32, #tpu.memory_space<vmem>>)
    %scan3A = arith.constant 0 : i32
    %scan3A_43 = arith.constant 0 : i32
    %scan3A_44 = arith.constant 32 : i32
    %scan3A_45 = arith.addi %scan3A_43, %scan3A_44 : i32
    %scan3A_46 = arith.constant 1 : i32
    scf.for %scan3A_92 = %scan3A_43 to %scan3A_45 step %scan3A_46  : i32 {
      %mul3A_93 = arith.constant 4 : i32
      %mul3A_94 = arith.muli %scan3A_92, %mul3A_93 : i32
      %add3A_95 = arith.constant 0 : i32
      %add3A_96 = arith.addi %mul3A_94, %add3A_95 : i32
      %mul3A_97 = arith.constant 16 : i32
      %mul3A_98 = arith.muli %add3A_96, %mul3A_97 : i32
      %get3A = arith.index_cast %mul3A_98 : i32 to index
      %get3A_99 = tpu.vector_load %arg8[%get3A] {strides = array<i32>} : memref<8192xf32, #tpu.memory_space<vmem>>, vector<16xf32>,
      %get3A_100 = vector.shape_cast %get3A_99 : vector<16xf32> to vector<16xf32>
      %add3A_101 = arith.constant 1 : i32
      %add3A_102 = arith.addi %mul3A_94, %add3A_101 : i32
      %mul3A_103 = arith.constant 16 : i32
      %mul3A_104 = arith.muli %add3A_102, %mul3A_103 : i32
      %get3A_105 = arith.index_cast %mul3A_104 : i32 to index
      %get3A_106 = tpu.vector_load %arg8[%get3A_105] {strides = array<i32>} : memref<8192xf32, #tpu.memory_space<vmem>>, vector<16xf32>,
      %get3A_107 = vector.shape_cast %get3A_106 : vector<16xf32> to vector<16xf32>
      %add3A_108 = arith.constant 2 : i32
      %add3A_109 = arith.addi %mul3A_94, %add3A_108 : i32
      %mul3A_110 = arith.constant 16 : i32
      %mul3A_111 = arith.muli %add3A_109, %mul3A_110 : i32
      %get3A_112 = arith.index_cast %mul3A_111 : i32 to index
      %get3A_113 = tpu.vector_load %arg8[%get3A_112] {strides = array<i32>} : memref<8192xf32, #tpu.memory_space<vmem>>, vector<16xf32>,
      %get3A_114 = vector.shape_cast %get3A_113 : vector<16xf32> to vector<16xf32>
      %add3A_115 = arith.constant 3 : i32
      %add3A_116 = arith.addi %mul3A_94, %add3A_115 : i32
      %mul3A_117 = arith.constant 16 : i32
      %mul3A_118 = arith.muli %add3A_116, %mul3A_117 : i32
      %get3A_119 = arith.index_cast %mul3A_118 : i32 to index
      %get3A_120 = tpu.vector_load %arg8[%get3A_119] {strides = array<i32>} : memref<8192xf32, #tpu.memory_space<vmem>>, vector<16xf32>,
      %get3A_121 = vector.shape_cast %get3A_120 : vector<16xf32> to vector<16xf32>
      %add3A_122 = arith.constant 0 : i32
      %add3A_123 = arith.addi %mul3A_94, %add3A_122 : i32
      %get3A_124 = arith.index_cast %add3A_123 : i32 to index
      %get3A_125 = arith.constant 0 : index
      %get3A_126 = tpu.vector_load %arg7[%get3A_124, %get3A_125] {strides = array<i32>} : memref<512x128xf32, #tpu.memory_space<vmem>>, vector<1x16xf32>,
      %get3A_127 = vector.shape_cast %get3A_126 : vector<1x16xf32> to vector<16xf32>
      %mul3A_128 = arith.mulf %get3A_127, %get3A_100 : vector<16xf32>
      %add3A_129 = arith.constant 1 : i32
      %add3A_130 = arith.addi %mul3A_94, %add3A_129 : i32
      %get3A_131 = arith.index_cast %add3A_130 : i32 to index
      %get3A_132 = arith.constant 0 : index
      %get3A_133 = tpu.vector_load %arg7[%get3A_131, %get3A_132] {strides = array<i32>} : memref<512x128xf32, #tpu.memory_space<vmem>>, vector<1x16xf32>,
      %get3A_134 = vector.shape_cast %get3A_133 : vector<1x16xf32> to vector<16xf32>
      %mul3A_135 = arith.mulf %get3A_134, %get3A_107 : vector<16xf32>
      %add3A_136 = arith.addf %mul3A_128, %mul3A_135 : vector<16xf32>
      %add3A_137 = arith.constant 2 : i32
      %add3A_138 = arith.addi %mul3A_94, %add3A_137 : i32
      %get3A_139 = arith.index_cast %add3A_138 : i32 to index
      %get3A_140 = arith.constant 0 : index
      %get3A_141 = tpu.vector_load %arg7[%get3A_139, %get3A_140] {strides = array<i32>} : memref<512x128xf32, #tpu.memory_space<vmem>>, vector<1x16xf32>,
      %get3A_142 = vector.shape_cast %get3A_141 : vector<1x16xf32> to vector<16xf32>
      %mul3A_143 = arith.mulf %get3A_142, %get3A_114 : vector<16xf32>
      %add3A_144 = arith.addf %add3A_136, %mul3A_143 : vector<16xf32>
      %add3A_145 = arith.constant 3 : i32
      %add3A_146 = arith.addi %mul3A_94, %add3A_145 : i32
      %get3A_147 = arith.index_cast %add3A_146 : i32 to index
      %get3A_148 = arith.constant 0 : index
      %get3A_149 = tpu.vector_load %arg7[%get3A_147, %get3A_148] {strides = array<i32>} : memref<512x128xf32, #tpu.memory_space<vmem>>, vector<1x16xf32>,
      %get3A_150 = vector.shape_cast %get3A_149 : vector<1x16xf32> to vector<16xf32>
      %mul3A_151 = arith.mulf %get3A_150, %get3A_121 : vector<16xf32>
      %add3A_152 = arith.addf %add3A_144, %mul3A_151 : vector<16xf32>
      %swap3A = arith.index_cast %scan3A_92 : i32 to index
      %swap3A_153 = arith.constant 0 : index
      %swap3A_154 = tpu.vector_load %arg9[%swap3A, %swap3A_153] {strides = array<i32>} : memref<128x128xf32, #tpu.memory_space<vmem>>, vector<1x16xf32>,
      %swap3A_155 = vector.shape_cast %swap3A_154 : vector<1x16xf32> to vector<16xf32>
      %swap3A_156 = vector.shape_cast %add3A_152 : vector<16xf32> to vector<1x16xf32>
      tpu.vector_store %arg9[%swap3A, %swap3A_153], %swap3A_156 {strides = array<i32>} : memref<128x128xf32, #tpu.memory_space<vmem>>, vector<1x16xf32>,
      %add3A_157 = arith.constant 0 : i32
      %add3A_158 = arith.addi %mul3A_94, %add3A_157 : i32
      %get3A_159 = arith.index_cast %add3A_158 : i32 to index
      %get3A_160 = arith.constant 16 : index
      %get3A_161 = tpu.vector_load %arg7[%get3A_159, %get3A_160] {strides = array<i32>} : memref<512x128xf32, #tpu.memory_space<vmem>>, vector<1x16xf32>,
      %get3A_162 = vector.shape_cast %get3A_161 : vector<1x16xf32> to vector<16xf32>
      %mul3A_163 = arith.mulf %get3A_162, %get3A_100 : vector<16xf32>
      %add3A_164 = arith.constant 1 : i32
      %add3A_165 = arith.addi %mul3A_94, %add3A_164 : i32
      %get3A_166 = arith.index_cast %add3A_165 : i32 to index
      %get3A_167 = arith.constant 16 : index
      %get3A_168 = tpu.vector_load %arg7[%get3A_166, %get3A_167] {strides = array<i32>} : memref<512x128xf32, #tpu.memory_space<vmem>>, vector<1x16xf32>,
      %get3A_169 = vector.shape_cast %get3A_168 : vector<1x16xf32> to vector<16xf32>
      %mul3A_170 = arith.mulf %get3A_169, %get3A_107 : vector<16xf32>
      %add3A_171 = arith.addf %mul3A_163, %mul3A_170 : vector<16xf32>
      %add3A_172 = arith.constant 2 : i32
      %add3A_173 = arith.addi %mul3A_94, %add3A_172 : i32
      %get3A_174 = arith.index_cast %add3A_173 : i32 to index
      %get3A_175 = arith.constant 16 : index
      %get3A_176 = tpu.vector_load %arg7[%get3A_174, %get3A_175] {strides = array<i32>} : memref<512x128xf32, #tpu.memory_space<vmem>>, vector<1x16xf32>,
      %get3A_177 = vector.shape_cast %get3A_176 : vector<1x16xf32> to vector<16xf32>
      %mul3A_178 = arith.mulf %get3A_177, %get3A_114 : vector<16xf32>
      %add3A_179 = arith.addf %add3A_171, %mul3A_178 : vector<16xf32>
      %add3A_180 = arith.constant 3 : i32
      %add3A_181 = arith.addi %mul3A_94, %add3A_180 : i32
      %get3A_182 = arith.index_cast %add3A_181 : i32 to index
      %get3A_183 = arith.constant 16 : index
      %get3A_184 = tpu.vector_load %arg7[%get3A_182, %get3A_183] {strides = array<i32>} : memref<512x128xf32, #tpu.memory_space<vmem>>, vector<1x16xf32>,
      %get3A_185 = vector.shape_cast %get3A_184 : vector<1x16xf32> to vector<16xf32>
      %mul3A_186 = arith.mulf %get3A_185, %get3A_121 : vector<16xf32>
      %add3A_187 = arith.addf %add3A_179, %mul3A_186 : vector<16xf32>
      %swap3A_188 = arith.index_cast %scan3A_92 : i32 to index
      %swap3A_189 = arith.constant 16 : index
      %swap3A_190 = tpu.vector_load %arg9[%swap3A_188, %swap3A_189] {strides = array<i32>} : memref<128x128xf32, #tpu.memory_space<vmem>>, vector<1x16xf32>,
      %swap3A_191 = vector.shape_cast %swap3A_190 : vector<1x16xf32> to vector<16xf32>
      %swap3A_192 = vector.shape_cast %add3A_187 : vector<16xf32> to vector<1x16xf32>
      tpu.vector_store %arg9[%swap3A_188, %swap3A_189], %swap3A_192 {strides = array<i32>} : memref<128x128xf32, #tpu.memory_space<vmem>>, vector<1x16xf32>,
      %add3A_193 = arith.constant 0 : i32
      %add3A_194 = arith.addi %mul3A_94, %add3A_193 : i32
      %get3A_195 = arith.index_cast %add3A_194 : i32 to index
      %get3A_196 = arith.constant 32 : index
      %get3A_197 = tpu.vector_load %arg7[%get3A_195, %get3A_196] {strides = array<i32>} : memref<512x128xf32, #tpu.memory_space<vmem>>, vector<1x16xf32>,
      %get3A_198 = vector.shape_cast %get3A_197 : vector<1x16xf32> to vector<16xf32>
      %mul3A_199 = arith.mulf %get3A_198, %get3A_100 : vector<16xf32>
      %add3A_200 = arith.constant 1 : i32
      %add3A_201 = arith.addi %mul3A_94, %add3A_200 : i32
      %get3A_202 = arith.index_cast %add3A_201 : i32 to index
      %get3A_203 = arith.constant 32 : index
      %get3A_204 = tpu.vector_load %arg7[%get3A_202, %get3A_203] {strides = array<i32>} : memref<512x128xf32, #tpu.memory_space<vmem>>, vector<1x16xf32>,
      %get3A_205 = vector.shape_cast %get3A_204 : vector<1x16xf32> to vector<16xf32>
      %mul3A_206 = arith.mulf %get3A_205, %get3A_107 : vector<16xf32>
      %add3A_207 = arith.addf %mul3A_199, %mul3A_206 : vector<16xf32>
      %add3A_208 = arith.constant 2 : i32
      %add3A_209 = arith.addi %mul3A_94, %add3A_208 : i32
      %get3A_210 = arith.index_cast %add3A_209 : i32 to index
      %get3A_211 = arith.constant 32 : index
      %get3A_212 = tpu.vector_load %arg7[%get3A_210, %get3A_211] {strides = array<i32>} : memref<512x128xf32, #tpu.memory_space<vmem>>, vector<1x16xf32>,
      %get3A_213 = vector.shape_cast %get3A_212 : vector<1x16xf32> to vector<16xf32>
      %mul3A_214 = arith.mulf %get3A_213, %get3A_114 : vector<16xf32>
      %add3A_215 = arith.addf %add3A_207, %mul3A_214 : vector<16xf32>
      %add3A_216 = arith.constant 3 : i32
      %add3A_217 = arith.addi %mul3A_94, %add3A_216 : i32
      %get3A_218 = arith.index_cast %add3A_217 : i32 to index
      %get3A_219 = arith.constant 32 : index
      %get3A_220 = tpu.vector_load %arg7[%get3A_218, %get3A_219] {strides = array<i32>} : memref<512x128xf32, #tpu.memory_space<vmem>>, vector<1x16xf32>,
      %get3A_221 = vector.shape_cast %get3A_220 : vector<1x16xf32> to vector<16xf32>
      %mul3A_222 = arith.mulf %get3A_221, %get3A_121 : vector<16xf32>
      %add3A_223 = arith.addf %add3A_215, %mul3A_222 : vector<16xf32>
      %swap3A_224 = arith.index_cast %scan3A_92 : i32 to index
      %swap3A_225 = arith.constant 32 : index
      %swap3A_226 = tpu.vector_load %arg9[%swap3A_224, %swap3A_225] {strides = array<i32>} : memref<128x128xf32, #tpu.memory_space<vmem>>, vector<1x16xf32>,
      %swap3A_227 = vector.shape_cast %swap3A_226 : vector<1x16xf32> to vector<16xf32>
      %swap3A_228 = vector.shape_cast %add3A_223 : vector<16xf32> to vector<1x16xf32>
      tpu.vector_store %arg9[%swap3A_224, %swap3A_225], %swap3A_228 {strides = array<i32>} : memref<128x128xf32, #tpu.memory_space<vmem>>, vector<1x16xf32>,
      %add3A_229 = arith.constant 0 : i32
      %add3A_230 = arith.addi %mul3A_94, %add3A_229 : i32
      %get3A_231 = arith.index_cast %add3A_230 : i32 to index
      %get3A_232 = arith.constant 48 : index
      %get3A_233 = tpu.vector_load %arg7[%get3A_231, %get3A_232] {strides = array<i32>} : memref<512x128xf32, #tpu.memory_space<vmem>>, vector<1x16xf32>,
      %get3A_234 = vector.shape_cast %get3A_233 : vector<1x16xf32> to vector<16xf32>
      %mul3A_235 = arith.mulf %get3A_234, %get3A_100 : vector<16xf32>
      %add3A_236 = arith.constant 1 : i32
      %add3A_237 = arith.addi %mul3A_94, %add3A_236 : i32
      %get3A_238 = arith.index_cast %add3A_237 : i32 to index
      %get3A_239 = arith.constant 48 : index
      %get3A_240 = tpu.vector_load %arg7[%get3A_238, %get3A_239] {strides = array<i32>} : memref<512x128xf32, #tpu.memory_space<vmem>>, vector<1x16xf32>,
      %get3A_241 = vector.shape_cast %get3A_240 : vector<1x16xf32> to vector<16xf32>
      %mul3A_242 = arith.mulf %get3A_241, %get3A_107 : vector<16xf32>
      %add3A_243 = arith.addf %mul3A_235, %mul3A_242 : vector<16xf32>
      %add3A_244 = arith.constant 2 : i32
      %add3A_245 = arith.addi %mul3A_94, %add3A_244 : i32
      %get3A_246 = arith.index_cast %add3A_245 : i32 to index
      %get3A_247 = arith.constant 48 : index
      %get3A_248 = tpu.vector_load %arg7[%get3A_246, %get3A_247] {strides = array<i32>} : memref<512x128xf32, #tpu.memory_space<vmem>>, vector<1x16xf32>,
      %get3A_249 = vector.shape_cast %get3A_248 : vector<1x16xf32> to vector<16xf32>
      %mul3A_250 = arith.mulf %get3A_249, %get3A_114 : vector<16xf32>
      %add3A_251 = arith.addf %add3A_243, %mul3A_250 : vector<16xf32>
      %add3A_252 = arith.constant 3 : i32
      %add3A_253 = arith.addi %mul3A_94, %add3A_252 : i32
      %get3A_254 = arith.index_cast %add3A_253 : i32 to index
      %get3A_255 = arith.constant 48 : index
      %get3A_256 = tpu.vector_load %arg7[%get3A_254, %get3A_255] {strides = array<i32>} : memref<512x128xf32, #tpu.memory_space<vmem>>, vector<1x16xf32>,
      %get3A_257 = vector.shape_cast %get3A_256 : vector<1x16xf32> to vector<16xf32>
      %mul3A_258 = arith.mulf %get3A_257, %get3A_121 : vector<16xf32>
      %add3A_259 = arith.addf %add3A_251, %mul3A_258 : vector<16xf32>
      %swap3A_260 = arith.index_cast %scan3A_92 : i32 to index
      %swap3A_261 = arith.constant 48 : index
      %swap3A_262 = tpu.vector_load %arg9[%swap3A_260, %swap3A_261] {strides = array<i32>} : memref<128x128xf32, #tpu.memory_space<vmem>>, vector<1x16xf32>,
      %swap3A_263 = vector.shape_cast %swap3A_262 : vector<1x16xf32> to vector<16xf32>
      %swap3A_264 = vector.shape_cast %add3A_259 : vector<16xf32> to vector<1x16xf32>
      tpu.vector_store %arg9[%swap3A_260, %swap3A_261], %swap3A_264 {strides = array<i32>} : memref<128x128xf32, #tpu.memory_space<vmem>>, vector<1x16xf32>,
      %add3A_265 = arith.constant 0 : i32
      %add3A_266 = arith.addi %mul3A_94, %add3A_265 : i32
      %get3A_267 = arith.index_cast %add3A_266 : i32 to index
      %get3A_268 = arith.constant 64 : index
      %get3A_269 = tpu.vector_load %arg7[%get3A_267, %get3A_268] {strides = array<i32>} : memref<512x128xf32, #tpu.memory_space<vmem>>, vector<1x16xf32>,
      %get3A_270 = vector.shape_cast %get3A_269 : vector<1x16xf32> to vector<16xf32>
      %mul3A_271 = arith.mulf %get3A_270, %get3A_100 : vector<16xf32>
      %add3A_272 = arith.constant 1 : i32
      %add3A_273 = arith.addi %mul3A_94, %add3A_272 : i32
      %get3A_274 = arith.index_cast %add3A_273 : i32 to index
      %get3A_275 = arith.constant 64 : index
      %get3A_276 = tpu.vector_load %arg7[%get3A_274, %get3A_275] {strides = array<i32>} : memref<512x128xf32, #tpu.memory_space<vmem>>, vector<1x16xf32>,
      %get3A_277 = vector.shape_cast %get3A_276 : vector<1x16xf32> to vector<16xf32>
      %mul3A_278 = arith.mulf %get3A_277, %get3A_107 : vector<16xf32>
      %add3A_279 = arith.addf %mul3A_271, %mul3A_278 : vector<16xf32>
      %add3A_280 = arith.constant 2 : i32
      %add3A_281 = arith.addi %mul3A_94, %add3A_280 : i32
      %get3A_282 = arith.index_cast %add3A_281 : i32 to index
      %get3A_283 = arith.constant 64 : index
      %get3A_284 = tpu.vector_load %arg7[%get3A_282, %get3A_283] {strides = array<i32>} : memref<512x128xf32, #tpu.memory_space<vmem>>, vector<1x16xf32>,
      %get3A_285 = vector.shape_cast %get3A_284 : vector<1x16xf32> to vector<16xf32>
      %mul3A_286 = arith.mulf %get3A_285, %get3A_114 : vector<16xf32>
      %add3A_287 = arith.addf %add3A_279, %mul3A_286 : vector<16xf32>
      %add3A_288 = arith.constant 3 : i32
      %add3A_289 = arith.addi %mul3A_94, %add3A_288 : i32
      %get3A_290 = arith.index_cast %add3A_289 : i32 to index
      %get3A_291 = arith.constant 64 : index
      %get3A_292 = tpu.vector_load %arg7[%get3A_290, %get3A_291] {strides = array<i32>} : memref<512x128xf32, #tpu.memory_space<vmem>>, vector<1x16xf32>,
      %get3A_293 = vector.shape_cast %get3A_292 : vector<1x16xf32> to vector<16xf32>
      %mul3A_294 = arith.mulf %get3A_293, %get3A_121 : vector<16xf32>
      %add3A_295 = arith.addf %add3A_287, %mul3A_294 : vector<16xf32>
      %swap3A_296 = arith.index_cast %scan3A_92 : i32 to index
      %swap3A_297 = arith.constant 64 : index
      %swap3A_298 = tpu.vector_load %arg9[%swap3A_296, %swap3A_297] {strides = array<i32>} : memref<128x128xf32, #tpu.memory_space<vmem>>, vector<1x16xf32>,
      %swap3A_299 = vector.shape_cast %swap3A_298 : vector<1x16xf32> to vector<16xf32>
      %swap3A_300 = vector.shape_cast %add3A_295 : vector<16xf32> to vector<1x16xf32>
      tpu.vector_store %arg9[%swap3A_296, %swap3A_297], %swap3A_300 {strides = array<i32>} : memref<128x128xf32, #tpu.memory_space<vmem>>, vector<1x16xf32>,
      %add3A_301 = arith.constant 0 : i32
      %add3A_302 = arith.addi %mul3A_94, %add3A_301 : i32
      %get3A_303 = arith.index_cast %add3A_302 : i32 to index
      %get3A_304 = arith.constant 80 : index
      %get3A_305 = tpu.vector_load %arg7[%get3A_303, %get3A_304] {strides = array<i32>} : memref<512x128xf32, #tpu.memory_space<vmem>>, vector<1x16xf32>,
      %get3A_306 = vector.shape_cast %get3A_305 : vector<1x16xf32> to vector<16xf32>
      %mul3A_307 = arith.mulf %get3A_306, %get3A_100 : vector<16xf32>
      %add3A_308 = arith.constant 1 : i32
      %add3A_309 = arith.addi %mul3A_94, %add3A_308 : i32
      %get3A_310 = arith.index_cast %add3A_309 : i32 to index
      %get3A_311 = arith.constant 80 : index
      %get3A_312 = tpu.vector_load %arg7[%get3A_310, %get3A_311] {strides = array<i32>} : memref<512x128xf32, #tpu.memory_space<vmem>>, vector<1x16xf32>,
      %get3A_313 = vector.shape_cast %get3A_312 : vector<1x16xf32> to vector<16xf32>
      %mul3A_314 = arith.mulf %get3A_313, %get3A_107 : vector<16xf32>
      %add3A_315 = arith.addf %mul3A_307, %mul3A_314 : vector<16xf32>
      %add3A_316 = arith.constant 2 : i32
      %add3A_317 = arith.addi %mul3A_94, %add3A_316 : i32
      %get3A_318 = arith.index_cast %add3A_317 : i32 to index
      %get3A_319 = arith.constant 80 : index
      %get3A_320 = tpu.vector_load %arg7[%get3A_318, %get3A_319] {strides = array<i32>} : memref<512x128xf32, #tpu.memory_space<vmem>>, vector<1x16xf32>,
      %get3A_321 = vector.shape_cast %get3A_320 : vector<1x16xf32> to vector<16xf32>
      %mul3A_322 = arith.mulf %get3A_321, %get3A_114 : vector<16xf32>
      %add3A_323 = arith.addf %add3A_315, %mul3A_322 : vector<16xf32>
      %add3A_324 = arith.constant 3 : i32
      %add3A_325 = arith.addi %mul3A_94, %add3A_324 : i32
      %get3A_326 = arith.index_cast %add3A_325 : i32 to index
      %get3A_327 = arith.constant 80 : index
      %get3A_328 = tpu.vector_load %arg7[%get3A_326, %get3A_327] {strides = array<i32>} : memref<512x128xf32, #tpu.memory_space<vmem>>, vector<1x16xf32>,
      %get3A_329 = vector.shape_cast %get3A_328 : vector<1x16xf32> to vector<16xf32>
      %mul3A_330 = arith.mulf %get3A_329, %get3A_121 : vector<16xf32>
      %add3A_331 = arith.addf %add3A_323, %mul3A_330 : vector<16xf32>
      %swap3A_332 = arith.index_cast %scan3A_92 : i32 to index
      %swap3A_333 = arith.constant 80 : index
      %swap3A_334 = tpu.vector_load %arg9[%swap3A_332, %swap3A_333] {strides = array<i32>} : memref<128x128xf32, #tpu.memory_space<vmem>>, vector<1x16xf32>,
      %swap3A_335 = vector.shape_cast %swap3A_334 : vector<1x16xf32> to vector<16xf32>
      %swap3A_336 = vector.shape_cast %add3A_331 : vector<16xf32> to vector<1x16xf32>
      tpu.vector_store %arg9[%swap3A_332, %swap3A_333], %swap3A_336 {strides = array<i32>} : memref<128x128xf32, #tpu.memory_space<vmem>>, vector<1x16xf32>,
      %add3A_337 = arith.constant 0 : i32
      %add3A_338 = arith.addi %mul3A_94, %add3A_337 : i32
      %get3A_339 = arith.index_cast %add3A_338 : i32 to index
      %get3A_340 = arith.constant 96 : index
      %get3A_341 = tpu.vector_load %arg7[%get3A_339, %get3A_340] {strides = array<i32>} : memref<512x128xf32, #tpu.memory_space<vmem>>, vector<1x16xf32>,
      %get3A_342 = vector.shape_cast %get3A_341 : vector<1x16xf32> to vector<16xf32>
      %mul3A_343 = arith.mulf %get3A_342, %get3A_100 : vector<16xf32>
      %add3A_344 = arith.constant 1 : i32
      %add3A_345 = arith.addi %mul3A_94, %add3A_344 : i32
      %get3A_346 = arith.index_cast %add3A_345 : i32 to index
      %get3A_347 = arith.constant 96 : index
      %get3A_348 = tpu.vector_load %arg7[%get3A_346, %get3A_347] {strides = array<i32>} : memref<512x128xf32, #tpu.memory_space<vmem>>, vector<1x16xf32>,
      %get3A_349 = vector.shape_cast %get3A_348 : vector<1x16xf32> to vector<16xf32>
      %mul3A_350 = arith.mulf %get3A_349, %get3A_107 : vector<16xf32>
      %add3A_351 = arith.addf %mul3A_343, %mul3A_350 : vector<16xf32>
      %add3A_352 = arith.constant 2 : i32
      %add3A_353 = arith.addi %mul3A_94, %add3A_352 : i32
      %get3A_354 = arith.index_cast %add3A_353 : i32 to index
      %get3A_355 = arith.constant 96 : index
      %get3A_356 = tpu.vector_load %arg7[%get3A_354, %get3A_355] {strides = array<i32>} : memref<512x128xf32, #tpu.memory_space<vmem>>, vector<1x16xf32>,
      %get3A_357 = vector.shape_cast %get3A_356 : vector<1x16xf32> to vector<16xf32>
      %mul3A_358 = arith.mulf %get3A_357, %get3A_114 : vector<16xf32>
      %add3A_359 = arith.addf %add3A_351, %mul3A_358 : vector<16xf32>
      %add3A_360 = arith.constant 3 : i32
      %add3A_361 = arith.addi %mul3A_94, %add3A_360 : i32
      %get3A_362 = arith.index_cast %add3A_361 : i32 to index
      %get3A_363 = arith.constant 96 : index
      %get3A_364 = tpu.vector_load %arg7[%get3A_362, %get3A_363] {strides = array<i32>} : memref<512x128xf32, #tpu.memory_space<vmem>>, vector<1x16xf32>,
      %get3A_365 = vector.shape_cast %get3A_364 : vector<1x16xf32> to vector<16xf32>
      %mul3A_366 = arith.mulf %get3A_365, %get3A_121 : vector<16xf32>
      %add3A_367 = arith.addf %add3A_359, %mul3A_366 : vector<16xf32>
      %swap3A_368 = arith.index_cast %scan3A_92 : i32 to index
      %swap3A_369 = arith.constant 96 : index
      %swap3A_370 = tpu.vector_load %arg9[%swap3A_368, %swap3A_369] {strides = array<i32>} : memref<128x128xf32, #tpu.memory_space<vmem>>, vector<1x16xf32>,
      %swap3A_371 = vector.shape_cast %swap3A_370 : vector<1x16xf32> to vector<16xf32>
      %swap3A_372 = vector.shape_cast %add3A_367 : vector<16xf32> to vector<1x16xf32>
      tpu.vector_store %arg9[%swap3A_368, %swap3A_369], %swap3A_372 {strides = array<i32>} : memref<128x128xf32, #tpu.memory_space<vmem>>, vector<1x16xf32>,
      %add3A_373 = arith.constant 0 : i32
      %add3A_374 = arith.addi %mul3A_94, %add3A_373 : i32
      %get3A_375 = arith.index_cast %add3A_374 : i32 to index
      %get3A_376 = arith.constant 112 : index
      %get3A_377 = tpu.vector_load %arg7[%get3A_375, %get3A_376] {strides = array<i32>} : memref<512x128xf32, #tpu.memory_space<vmem>>, vector<1x16xf32>,
      %get3A_378 = vector.shape_cast %get3A_377 : vector<1x16xf32> to vector<16xf32>
      %mul3A_379 = arith.mulf %get3A_378, %get3A_100 : vector<16xf32>
      %add3A_380 = arith.constant 1 : i32
      %add3A_381 = arith.addi %mul3A_94, %add3A_380 : i32
      %get3A_382 = arith.index_cast %add3A_381 : i32 to index
      %get3A_383 = arith.constant 112 : index
      %get3A_384 = tpu.vector_load %arg7[%get3A_382, %get3A_383] {strides = array<i32>} : memref<512x128xf32, #tpu.memory_space<vmem>>, vector<1x16xf32>,
      %get3A_385 = vector.shape_cast %get3A_384 : vector<1x16xf32> to vector<16xf32>
      %mul3A_386 = arith.mulf %get3A_385, %get3A_107 : vector<16xf32>
      %add3A_387 = arith.addf %mul3A_379, %mul3A_386 : vector<16xf32>
      %add3A_388 = arith.constant 2 : i32
      %add3A_389 = arith.addi %mul3A_94, %add3A_388 : i32
      %get3A_390 = arith.index_cast %add3A_389 : i32 to index
      %get3A_391 = arith.constant 112 : index
      %get3A_392 = tpu.vector_load %arg7[%get3A_390, %get3A_391] {strides = array<i32>} : memref<512x128xf32, #tpu.memory_space<vmem>>, vector<1x16xf32>,
      %get3A_393 = vector.shape_cast %get3A_392 : vector<1x16xf32> to vector<16xf32>
      %mul3A_394 = arith.mulf %get3A_393, %get3A_114 : vector<16xf32>
      %add3A_395 = arith.addf %add3A_387, %mul3A_394 : vector<16xf32>
      %add3A_396 = arith.constant 3 : i32
      %add3A_397 = arith.addi %mul3A_94, %add3A_396 : i32
      %get3A_398 = arith.index_cast %add3A_397 : i32 to index
      %get3A_399 = arith.constant 112 : index
      %get3A_400 = tpu.vector_load %arg7[%get3A_398, %get3A_399] {strides = array<i32>} : memref<512x128xf32, #tpu.memory_space<vmem>>, vector<1x16xf32>,
      %get3A_401 = vector.shape_cast %get3A_400 : vector<1x16xf32> to vector<16xf32>
      %mul3A_402 = arith.mulf %get3A_401, %get3A_121 : vector<16xf32>
      %add3A_403 = arith.addf %add3A_395, %mul3A_402 : vector<16xf32>
      %swap3A_404 = arith.index_cast %scan3A_92 : i32 to index
      %swap3A_405 = arith.constant 112 : index
      %swap3A_406 = tpu.vector_load %arg9[%swap3A_404, %swap3A_405] {strides = array<i32>} : memref<128x128xf32, #tpu.memory_space<vmem>>, vector<1x16xf32>,
      %swap3A_407 = vector.shape_cast %swap3A_406 : vector<1x16xf32> to vector<16xf32>
      %swap3A_408 = vector.shape_cast %add3A_403 : vector<16xf32> to vector<1x16xf32>
      tpu.vector_store %arg9[%swap3A_404, %swap3A_405], %swap3A_408 {strides = array<i32>} : memref<128x128xf32, #tpu.memory_space<vmem>>, vector<1x16xf32>,
    }
    %scan3A_47 = arith.constant 32 : i32
    %dma_wait3A_48 = arith.constant 128 : i32
    %dma_wait3A_49 = arith.constant 0 : i32
    %dma_wait3A_50 = tpu.memref_slice %arg7[%dma_wait3A_48, %dma_wait3A_49] : memref<512x128xf32, #tpu.memory_space<vmem>> -> memref<128x128xf32, #tpu.memory_space<vmem>>
    %dma_wait3A_51 = arith.constant 128 : i32
    %dma_wait3A_52 = tpu.memref_slice %arg6[%dma_wait3A_51] : memref<512xi32, #tpu.memory_space<vmem>> -> memref<128xi32, #tpu.memory_space<vmem>>
    %dma_wait3A_53 = arith.constant 0 : i32
    %dma_wait3A_54 = arith.constant 0 : i32
    %dma_wait3A_55 = tpu.memref_slice %arg2[%dma_wait3A_53, %dma_wait3A_54] : memref<4096x128xf32, #tpu.memory_space<hbm>> -> memref<4096x128xf32, #tpu.memory_space<hbm>>
    tpu.wait_indirect_dma semaphore(%arg11 : memref<!tpu.dma_semaphore, #tpu.memory_space<semaphore_mem>>) src(%dma_wait3A_55 : memref<4096x128xf32, #tpu.memory_space<hbm>>) dst(%dma_wait3A_50 : memref<128x128xf32, #tpu.memory_space<vmem>>)
    %scan3A_56 = arith.constant 0 : i32
    %scan3A_57 = arith.constant 32 : i32
    %scan3A_58 = arith.constant 32 : i32
    %scan3A_59 = arith.addi %scan3A_57, %scan3A_58 : i32
    %scan3A_60 = arith.constant 1 : i32
    scf.for %scan3A_92 = %scan3A_57 to %scan3A_59 step %scan3A_60  : i32 {
      %mul3A_93 = arith.constant 4 : i32
      %mul3A_94 = arith.muli %scan3A_92, %mul3A_93 : i32
      %add3A_95 = arith.constant 0 : i32
      %add3A_96 = arith.addi %mul3A_94, %add3A_95 : i32
      %mul3A_97 = arith.constant 16 : i32
      %mul3A_98 = arith.muli %add3A_96, %mul3A_97 : i32
      %get3A = arith.index_cast %mul3A_98 : i32 to index
      %get3A_99 = tpu.vector_load %arg8[%get3A] {strides = array<i32>} : memref<8192xf32, #tpu.memory_space<vmem>>, vector<16xf32>,
      %get3A_100 = vector.shape_cast %get3A_99 : vector<16xf32> to vector<16xf32>
      %add3A_101 = arith.constant 1 : i32
      %add3A_102 = arith.addi %mul3A_94, %add3A_101 : i32
      %mul3A_103 = arith.constant 16 : i32
      %mul3A_104 = arith.muli %add3A_102, %mul3A_103 : i32
      %get3A_105 = arith.index_cast %mul3A_104 : i32 to index
      %get3A_106 = tpu.vector_load %arg8[%get3A_105] {strides = array<i32>} : memref<8192xf32, #tpu.memory_space<vmem>>, vector<16xf32>,
      %get3A_107 = vector.shape_cast %get3A_106 : vector<16xf32> to vector<16xf32>
      %add3A_108 = arith.constant 2 : i32
      %add3A_109 = arith.addi %mul3A_94, %add3A_108 : i32
      %mul3A_110 = arith.constant 16 : i32
      %mul3A_111 = arith.muli %add3A_109, %mul3A_110 : i32
      %get3A_112 = arith.index_cast %mul3A_111 : i32 to index
      %get3A_113 = tpu.vector_load %arg8[%get3A_112] {strides = array<i32>} : memref<8192xf32, #tpu.memory_space<vmem>>, vector<16xf32>,
      %get3A_114 = vector.shape_cast %get3A_113 : vector<16xf32> to vector<16xf32>
      %add3A_115 = arith.constant 3 : i32
      %add3A_116 = arith.addi %mul3A_94, %add3A_115 : i32
      %mul3A_117 = arith.constant 16 : i32
      %mul3A_118 = arith.muli %add3A_116, %mul3A_117 : i32
      %get3A_119 = arith.index_cast %mul3A_118 : i32 to index
      %get3A_120 = tpu.vector_load %arg8[%get3A_119] {strides = array<i32>} : memref<8192xf32, #tpu.memory_space<vmem>>, vector<16xf32>,
      %get3A_121 = vector.shape_cast %get3A_120 : vector<16xf32> to vector<16xf32>
      %add3A_122 = arith.constant 0 : i32
      %add3A_123 = arith.addi %mul3A_94, %add3A_122 : i32
      %get3A_124 = arith.index_cast %add3A_123 : i32 to index
      %get3A_125 = arith.constant 0 : index
      %get3A_126 = tpu.vector_load %arg7[%get3A_124, %get3A_125] {strides = array<i32>} : memref<512x128xf32, #tpu.memory_space<vmem>>, vector<1x16xf32>,
      %get3A_127 = vector.shape_cast %get3A_126 : vector<1x16xf32> to vector<16xf32>
      %mul3A_128 = arith.mulf %get3A_127, %get3A_100 : vector<16xf32>
      %add3A_129 = arith.constant 1 : i32
      %add3A_130 = arith.addi %mul3A_94, %add3A_129 : i32
      %get3A_131 = arith.index_cast %add3A_130 : i32 to index
      %get3A_132 = arith.constant 0 : index
      %get3A_133 = tpu.vector_load %arg7[%get3A_131, %get3A_132] {strides = array<i32>} : memref<512x128xf32, #tpu.memory_space<vmem>>, vector<1x16xf32>,
      %get3A_134 = vector.shape_cast %get3A_133 : vector<1x16xf32> to vector<16xf32>
      %mul3A_135 = arith.mulf %get3A_134, %get3A_107 : vector<16xf32>
      %add3A_136 = arith.addf %mul3A_128, %mul3A_135 : vector<16xf32>
      %add3A_137 = arith.constant 2 : i32
      %add3A_138 = arith.addi %mul3A_94, %add3A_137 : i32
      %get3A_139 = arith.index_cast %add3A_138 : i32 to index
      %get3A_140 = arith.constant 0 : index
      %get3A_141 = tpu.vector_load %arg7[%get3A_139, %get3A_140] {strides = array<i32>} : memref<512x128xf32, #tpu.memory_space<vmem>>, vector<1x16xf32>,
      %get3A_142 = vector.shape_cast %get3A_141 : vector<1x16xf32> to vector<16xf32>
      %mul3A_143 = arith.mulf %get3A_142, %get3A_114 : vector<16xf32>
      %add3A_144 = arith.addf %add3A_136, %mul3A_143 : vector<16xf32>
      %add3A_145 = arith.constant 3 : i32
      %add3A_146 = arith.addi %mul3A_94, %add3A_145 : i32
      %get3A_147 = arith.index_cast %add3A_146 : i32 to index
      %get3A_148 = arith.constant 0 : index
      %get3A_149 = tpu.vector_load %arg7[%get3A_147, %get3A_148] {strides = array<i32>} : memref<512x128xf32, #tpu.memory_space<vmem>>, vector<1x16xf32>,
      %get3A_150 = vector.shape_cast %get3A_149 : vector<1x16xf32> to vector<16xf32>
      %mul3A_151 = arith.mulf %get3A_150, %get3A_121 : vector<16xf32>
      %add3A_152 = arith.addf %add3A_144, %mul3A_151 : vector<16xf32>
      %swap3A = arith.index_cast %scan3A_92 : i32 to index
      %swap3A_153 = arith.constant 0 : index
      %swap3A_154 = tpu.vector_load %arg9[%swap3A, %swap3A_153] {strides = array<i32>} : memref<128x128xf32, #tpu.memory_space<vmem>>, vector<1x16xf32>,
      %swap3A_155 = vector.shape_cast %swap3A_154 : vector<1x16xf32> to vector<16xf32>
      %swap3A_156 = vector.shape_cast %add3A_152 : vector<16xf32> to vector<1x16xf32>
      tpu.vector_store %arg9[%swap3A, %swap3A_153], %swap3A_156 {strides = array<i32>} : memref<128x128xf32, #tpu.memory_space<vmem>>, vector<1x16xf32>,
      %add3A_157 = arith.constant 0 : i32
      %add3A_158 = arith.addi %mul3A_94, %add3A_157 : i32
      %get3A_159 = arith.index_cast %add3A_158 : i32 to index
      %get3A_160 = arith.constant 16 : index
      %get3A_161 = tpu.vector_load %arg7[%get3A_159, %get3A_160] {strides = array<i32>} : memref<512x128xf32, #tpu.memory_space<vmem>>, vector<1x16xf32>,
      %get3A_162 = vector.shape_cast %get3A_161 : vector<1x16xf32> to vector<16xf32>
      %mul3A_163 = arith.mulf %get3A_162, %get3A_100 : vector<16xf32>
      %add3A_164 = arith.constant 1 : i32
      %add3A_165 = arith.addi %mul3A_94, %add3A_164 : i32
      %get3A_166 = arith.index_cast %add3A_165 : i32 to index
      %get3A_167 = arith.constant 16 : index
      %get3A_168 = tpu.vector_load %arg7[%get3A_166, %get3A_167] {strides = array<i32>} : memref<512x128xf32, #tpu.memory_space<vmem>>, vector<1x16xf32>,
      %get3A_169 = vector.shape_cast %get3A_168 : vector<1x16xf32> to vector<16xf32>
      %mul3A_170 = arith.mulf %get3A_169, %get3A_107 : vector<16xf32>
      %add3A_171 = arith.addf %mul3A_163, %mul3A_170 : vector<16xf32>
      %add3A_172 = arith.constant 2 : i32
      %add3A_173 = arith.addi %mul3A_94, %add3A_172 : i32
      %get3A_174 = arith.index_cast %add3A_173 : i32 to index
      %get3A_175 = arith.constant 16 : index
      %get3A_176 = tpu.vector_load %arg7[%get3A_174, %get3A_175] {strides = array<i32>} : memref<512x128xf32, #tpu.memory_space<vmem>>, vector<1x16xf32>,
      %get3A_177 = vector.shape_cast %get3A_176 : vector<1x16xf32> to vector<16xf32>
      %mul3A_178 = arith.mulf %get3A_177, %get3A_114 : vector<16xf32>
      %add3A_179 = arith.addf %add3A_171, %mul3A_178 : vector<16xf32>
      %add3A_180 = arith.constant 3 : i32
      %add3A_181 = arith.addi %mul3A_94, %add3A_180 : i32
      %get3A_182 = arith.index_cast %add3A_181 : i32 to index
      %get3A_183 = arith.constant 16 : index
      %get3A_184 = tpu.vector_load %arg7[%get3A_182, %get3A_183] {strides = array<i32>} : memref<512x128xf32, #tpu.memory_space<vmem>>, vector<1x16xf32>,
      %get3A_185 = vector.shape_cast %get3A_184 : vector<1x16xf32> to vector<16xf32>
      %mul3A_186 = arith.mulf %get3A_185, %get3A_121 : vector<16xf32>
      %add3A_187 = arith.addf %add3A_179, %mul3A_186 : vector<16xf32>
      %swap3A_188 = arith.index_cast %scan3A_92 : i32 to index
      %swap3A_189 = arith.constant 16 : index
      %swap3A_190 = tpu.vector_load %arg9[%swap3A_188, %swap3A_189] {strides = array<i32>} : memref<128x128xf32, #tpu.memory_space<vmem>>, vector<1x16xf32>,
      %swap3A_191 = vector.shape_cast %swap3A_190 : vector<1x16xf32> to vector<16xf32>
      %swap3A_192 = vector.shape_cast %add3A_187 : vector<16xf32> to vector<1x16xf32>
      tpu.vector_store %arg9[%swap3A_188, %swap3A_189], %swap3A_192 {strides = array<i32>} : memref<128x128xf32, #tpu.memory_space<vmem>>, vector<1x16xf32>,
      %add3A_193 = arith.constant 0 : i32
      %add3A_194 = arith.addi %mul3A_94, %add3A_193 : i32
      %get3A_195 = arith.index_cast %add3A_194 : i32 to index
      %get3A_196 = arith.constant 32 : index
      %get3A_197 = tpu.vector_load %arg7[%get3A_195, %get3A_196] {strides = array<i32>} : memref<512x128xf32, #tpu.memory_space<vmem>>, vector<1x16xf32>,
      %get3A_198 = vector.shape_cast %get3A_197 : vector<1x16xf32> to vector<16xf32>
      %mul3A_199 = arith.mulf %get3A_198, %get3A_100 : vector<16xf32>
      %add3A_200 = arith.constant 1 : i32
      %add3A_201 = arith.addi %mul3A_94, %add3A_200 : i32
      %get3A_202 = arith.index_cast %add3A_201 : i32 to index
      %get3A_203 = arith.constant 32 : index
      %get3A_204 = tpu.vector_load %arg7[%get3A_202, %get3A_203] {strides = array<i32>} : memref<512x128xf32, #tpu.memory_space<vmem>>, vector<1x16xf32>,
      %get3A_205 = vector.shape_cast %get3A_204 : vector<1x16xf32> to vector<16xf32>
      %mul3A_206 = arith.mulf %get3A_205, %get3A_107 : vector<16xf32>
      %add3A_207 = arith.addf %mul3A_199, %mul3A_206 : vector<16xf32>
      %add3A_208 = arith.constant 2 : i32
      %add3A_209 = arith.addi %mul3A_94, %add3A_208 : i32
      %get3A_210 = arith.index_cast %add3A_209 : i32 to index
      %get3A_211 = arith.constant 32 : index
      %get3A_212 = tpu.vector_load %arg7[%get3A_210, %get3A_211] {strides = array<i32>} : memref<512x128xf32, #tpu.memory_space<vmem>>, vector<1x16xf32>,
      %get3A_213 = vector.shape_cast %get3A_212 : vector<1x16xf32> to vector<16xf32>
      %mul3A_214 = arith.mulf %get3A_213, %get3A_114 : vector<16xf32>
      %add3A_215 = arith.addf %add3A_207, %mul3A_214 : vector<16xf32>
      %add3A_216 = arith.constant 3 : i32
      %add3A_217 = arith.addi %mul3A_94, %add3A_216 : i32
      %get3A_218 = arith.index_cast %add3A_217 : i32 to index
      %get3A_219 = arith.constant 32 : index
      %get3A_220 = tpu.vector_load %arg7[%get3A_218, %get3A_219] {strides = array<i32>} : memref<512x128xf32, #tpu.memory_space<vmem>>, vector<1x16xf32>,
      %get3A_221 = vector.shape_cast %get3A_220 : vector<1x16xf32> to vector<16xf32>
      %mul3A_222 = arith.mulf %get3A_221, %get3A_121 : vector<16xf32>
      %add3A_223 = arith.addf %add3A_215, %mul3A_222 : vector<16xf32>
      %swap3A_224 = arith.index_cast %scan3A_92 : i32 to index
      %swap3A_225 = arith.constant 32 : index
      %swap3A_226 = tpu.vector_load %arg9[%swap3A_224, %swap3A_225] {strides = array<i32>} : memref<128x128xf32, #tpu.memory_space<vmem>>, vector<1x16xf32>,
      %swap3A_227 = vector.shape_cast %swap3A_226 : vector<1x16xf32> to vector<16xf32>
      %swap3A_228 = vector.shape_cast %add3A_223 : vector<16xf32> to vector<1x16xf32>
      tpu.vector_store %arg9[%swap3A_224, %swap3A_225], %swap3A_228 {strides = array<i32>} : memref<128x128xf32, #tpu.memory_space<vmem>>, vector<1x16xf32>,
      %add3A_229 = arith.constant 0 : i32
      %add3A_230 = arith.addi %mul3A_94, %add3A_229 : i32
      %get3A_231 = arith.index_cast %add3A_230 : i32 to index
      %get3A_232 = arith.constant 48 : index
      %get3A_233 = tpu.vector_load %arg7[%get3A_231, %get3A_232] {strides = array<i32>} : memref<512x128xf32, #tpu.memory_space<vmem>>, vector<1x16xf32>,
      %get3A_234 = vector.shape_cast %get3A_233 : vector<1x16xf32> to vector<16xf32>
      %mul3A_235 = arith.mulf %get3A_234, %get3A_100 : vector<16xf32>
      %add3A_236 = arith.constant 1 : i32
      %add3A_237 = arith.addi %mul3A_94, %add3A_236 : i32
      %get3A_238 = arith.index_cast %add3A_237 : i32 to index
      %get3A_239 = arith.constant 48 : index
      %get3A_240 = tpu.vector_load %arg7[%get3A_238, %get3A_239] {strides = array<i32>} : memref<512x128xf32, #tpu.memory_space<vmem>>, vector<1x16xf32>,
      %get3A_241 = vector.shape_cast %get3A_240 : vector<1x16xf32> to vector<16xf32>
      %mul3A_242 = arith.mulf %get3A_241, %get3A_107 : vector<16xf32>
      %add3A_243 = arith.addf %mul3A_235, %mul3A_242 : vector<16xf32>
      %add3A_244 = arith.constant 2 : i32
      %add3A_245 = arith.addi %mul3A_94, %add3A_244 : i32
      %get3A_246 = arith.index_cast %add3A_245 : i32 to index
      %get3A_247 = arith.constant 48 : index
      %get3A_248 = tpu.vector_load %arg7[%get3A_246, %get3A_247] {strides = array<i32>} : memref<512x128xf32, #tpu.memory_space<vmem>>, vector<1x16xf32>,
      %get3A_249 = vector.shape_cast %get3A_248 : vector<1x16xf32> to vector<16xf32>
      %mul3A_250 = arith.mulf %get3A_249, %get3A_114 : vector<16xf32>
      %add3A_251 = arith.addf %add3A_243, %mul3A_250 : vector<16xf32>
      %add3A_252 = arith.constant 3 : i32
      %add3A_253 = arith.addi %mul3A_94, %add3A_252 : i32
      %get3A_254 = arith.index_cast %add3A_253 : i32 to index
      %get3A_255 = arith.constant 48 : index
      %get3A_256 = tpu.vector_load %arg7[%get3A_254, %get3A_255] {strides = array<i32>} : memref<512x128xf32, #tpu.memory_space<vmem>>, vector<1x16xf32>,
      %get3A_257 = vector.shape_cast %get3A_256 : vector<1x16xf32> to vector<16xf32>
      %mul3A_258 = arith.mulf %get3A_257, %get3A_121 : vector<16xf32>
      %add3A_259 = arith.addf %add3A_251, %mul3A_258 : vector<16xf32>
      %swap3A_260 = arith.index_cast %scan3A_92 : i32 to index
      %swap3A_261 = arith.constant 48 : index
      %swap3A_262 = tpu.vector_load %arg9[%swap3A_260, %swap3A_261] {strides = array<i32>} : memref<128x128xf32, #tpu.memory_space<vmem>>, vector<1x16xf32>,
      %swap3A_263 = vector.shape_cast %swap3A_262 : vector<1x16xf32> to vector<16xf32>
      %swap3A_264 = vector.shape_cast %add3A_259 : vector<16xf32> to vector<1x16xf32>
      tpu.vector_store %arg9[%swap3A_260, %swap3A_261], %swap3A_264 {strides = array<i32>} : memref<128x128xf32, #tpu.memory_space<vmem>>, vector<1x16xf32>,
      %add3A_265 = arith.constant 0 : i32
      %add3A_266 = arith.addi %mul3A_94, %add3A_265 : i32
      %get3A_267 = arith.index_cast %add3A_266 : i32 to index
      %get3A_268 = arith.constant 64 : index
      %get3A_269 = tpu.vector_load %arg7[%get3A_267, %get3A_268] {strides = array<i32>} : memref<512x128xf32, #tpu.memory_space<vmem>>, vector<1x16xf32>,
      %get3A_270 = vector.shape_cast %get3A_269 : vector<1x16xf32> to vector<16xf32>
      %mul3A_271 = arith.mulf %get3A_270, %get3A_100 : vector<16xf32>
      %add3A_272 = arith.constant 1 : i32
      %add3A_273 = arith.addi %mul3A_94, %add3A_272 : i32
      %get3A_274 = arith.index_cast %add3A_273 : i32 to index
      %get3A_275 = arith.constant 64 : index
      %get3A_276 = tpu.vector_load %arg7[%get3A_274, %get3A_275] {strides = array<i32>} : memref<512x128xf32, #tpu.memory_space<vmem>>, vector<1x16xf32>,
      %get3A_277 = vector.shape_cast %get3A_276 : vector<1x16xf32> to vector<16xf32>
      %mul3A_278 = arith.mulf %get3A_277, %get3A_107 : vector<16xf32>
      %add3A_279 = arith.addf %mul3A_271, %mul3A_278 : vector<16xf32>
      %add3A_280 = arith.constant 2 : i32
      %add3A_281 = arith.addi %mul3A_94, %add3A_280 : i32
      %get3A_282 = arith.index_cast %add3A_281 : i32 to index
      %get3A_283 = arith.constant 64 : index
      %get3A_284 = tpu.vector_load %arg7[%get3A_282, %get3A_283] {strides = array<i32>} : memref<512x128xf32, #tpu.memory_space<vmem>>, vector<1x16xf32>,
      %get3A_285 = vector.shape_cast %get3A_284 : vector<1x16xf32> to vector<16xf32>
      %mul3A_286 = arith.mulf %get3A_285, %get3A_114 : vector<16xf32>
      %add3A_287 = arith.addf %add3A_279, %mul3A_286 : vector<16xf32>
      %add3A_288 = arith.constant 3 : i32
      %add3A_289 = arith.addi %mul3A_94, %add3A_288 : i32
      %get3A_290 = arith.index_cast %add3A_289 : i32 to index
      %get3A_291 = arith.constant 64 : index
      %get3A_292 = tpu.vector_load %arg7[%get3A_290, %get3A_291] {strides = array<i32>} : memref<512x128xf32, #tpu.memory_space<vmem>>, vector<1x16xf32>,
      %get3A_293 = vector.shape_cast %get3A_292 : vector<1x16xf32> to vector<16xf32>
      %mul3A_294 = arith.mulf %get3A_293, %get3A_121 : vector<16xf32>
      %add3A_295 = arith.addf %add3A_287, %mul3A_294 : vector<16xf32>
      %swap3A_296 = arith.index_cast %scan3A_92 : i32 to index
      %swap3A_297 = arith.constant 64 : index
      %swap3A_298 = tpu.vector_load %arg9[%swap3A_296, %swap3A_297] {strides = array<i32>} : memref<128x128xf32, #tpu.memory_space<vmem>>, vector<1x16xf32>,
      %swap3A_299 = vector.shape_cast %swap3A_298 : vector<1x16xf32> to vector<16xf32>
      %swap3A_300 = vector.shape_cast %add3A_295 : vector<16xf32> to vector<1x16xf32>
      tpu.vector_store %arg9[%swap3A_296, %swap3A_297], %swap3A_300 {strides = array<i32>} : memref<128x128xf32, #tpu.memory_space<vmem>>, vector<1x16xf32>,
      %add3A_301 = arith.constant 0 : i32
      %add3A_302 = arith.addi %mul3A_94, %add3A_301 : i32
      %get3A_303 = arith.index_cast %add3A_302 : i32 to index
      %get3A_304 = arith.constant 80 : index
      %get3A_305 = tpu.vector_load %arg7[%get3A_303, %get3A_304] {strides = array<i32>} : memref<512x128xf32, #tpu.memory_space<vmem>>, vector<1x16xf32>,
      %get3A_306 = vector.shape_cast %get3A_305 : vector<1x16xf32> to vector<16xf32>
      %mul3A_307 = arith.mulf %get3A_306, %get3A_100 : vector<16xf32>
      %add3A_308 = arith.constant 1 : i32
      %add3A_309 = arith.addi %mul3A_94, %add3A_308 : i32
      %get3A_310 = arith.index_cast %add3A_309 : i32 to index
      %get3A_311 = arith.constant 80 : index
      %get3A_312 = tpu.vector_load %arg7[%get3A_310, %get3A_311] {strides = array<i32>} : memref<512x128xf32, #tpu.memory_space<vmem>>, vector<1x16xf32>,
      %get3A_313 = vector.shape_cast %get3A_312 : vector<1x16xf32> to vector<16xf32>
      %mul3A_314 = arith.mulf %get3A_313, %get3A_107 : vector<16xf32>
      %add3A_315 = arith.addf %mul3A_307, %mul3A_314 : vector<16xf32>
      %add3A_316 = arith.constant 2 : i32
      %add3A_317 = arith.addi %mul3A_94, %add3A_316 : i32
      %get3A_318 = arith.index_cast %add3A_317 : i32 to index
      %get3A_319 = arith.constant 80 : index
      %get3A_320 = tpu.vector_load %arg7[%get3A_318, %get3A_319] {strides = array<i32>} : memref<512x128xf32, #tpu.memory_space<vmem>>, vector<1x16xf32>,
      %get3A_321 = vector.shape_cast %get3A_320 : vector<1x16xf32> to vector<16xf32>
      %mul3A_322 = arith.mulf %get3A_321, %get3A_114 : vector<16xf32>
      %add3A_323 = arith.addf %add3A_315, %mul3A_322 : vector<16xf32>
      %add3A_324 = arith.constant 3 : i32
      %add3A_325 = arith.addi %mul3A_94, %add3A_324 : i32
      %get3A_326 = arith.index_cast %add3A_325 : i32 to index
      %get3A_327 = arith.constant 80 : index
      %get3A_328 = tpu.vector_load %arg7[%get3A_326, %get3A_327] {strides = array<i32>} : memref<512x128xf32, #tpu.memory_space<vmem>>, vector<1x16xf32>,
      %get3A_329 = vector.shape_cast %get3A_328 : vector<1x16xf32> to vector<16xf32>
      %mul3A_330 = arith.mulf %get3A_329, %get3A_121 : vector<16xf32>
      %add3A_331 = arith.addf %add3A_323, %mul3A_330 : vector<16xf32>
      %swap3A_332 = arith.index_cast %scan3A_92 : i32 to index
      %swap3A_333 = arith.constant 80 : index
      %swap3A_334 = tpu.vector_load %arg9[%swap3A_332, %swap3A_333] {strides = array<i32>} : memref<128x128xf32, #tpu.memory_space<vmem>>, vector<1x16xf32>,
      %swap3A_335 = vector.shape_cast %swap3A_334 : vector<1x16xf32> to vector<16xf32>
      %swap3A_336 = vector.shape_cast %add3A_331 : vector<16xf32> to vector<1x16xf32>
      tpu.vector_store %arg9[%swap3A_332, %swap3A_333], %swap3A_336 {strides = array<i32>} : memref<128x128xf32, #tpu.memory_space<vmem>>, vector<1x16xf32>,
      %add3A_337 = arith.constant 0 : i32
      %add3A_338 = arith.addi %mul3A_94, %add3A_337 : i32
      %get3A_339 = arith.index_cast %add3A_338 : i32 to index
      %get3A_340 = arith.constant 96 : index
      %get3A_341 = tpu.vector_load %arg7[%get3A_339, %get3A_340] {strides = array<i32>} : memref<512x128xf32, #tpu.memory_space<vmem>>, vector<1x16xf32>,
      %get3A_342 = vector.shape_cast %get3A_341 : vector<1x16xf32> to vector<16xf32>
      %mul3A_343 = arith.mulf %get3A_342, %get3A_100 : vector<16xf32>
      %add3A_344 = arith.constant 1 : i32
      %add3A_345 = arith.addi %mul3A_94, %add3A_344 : i32
      %get3A_346 = arith.index_cast %add3A_345 : i32 to index
      %get3A_347 = arith.constant 96 : index
      %get3A_348 = tpu.vector_load %arg7[%get3A_346, %get3A_347] {strides = array<i32>} : memref<512x128xf32, #tpu.memory_space<vmem>>, vector<1x16xf32>,
      %get3A_349 = vector.shape_cast %get3A_348 : vector<1x16xf32> to vector<16xf32>
      %mul3A_350 = arith.mulf %get3A_349, %get3A_107 : vector<16xf32>
      %add3A_351 = arith.addf %mul3A_343, %mul3A_350 : vector<16xf32>
      %add3A_352 = arith.constant 2 : i32
      %add3A_353 = arith.addi %mul3A_94, %add3A_352 : i32
      %get3A_354 = arith.index_cast %add3A_353 : i32 to index
      %get3A_355 = arith.constant 96 : index
      %get3A_356 = tpu.vector_load %arg7[%get3A_354, %get3A_355] {strides = array<i32>} : memref<512x128xf32, #tpu.memory_space<vmem>>, vector<1x16xf32>,
      %get3A_357 = vector.shape_cast %get3A_356 : vector<1x16xf32> to vector<16xf32>
      %mul3A_358 = arith.mulf %get3A_357, %get3A_114 : vector<16xf32>
      %add3A_359 = arith.addf %add3A_351, %mul3A_358 : vector<16xf32>
      %add3A_360 = arith.constant 3 : i32
      %add3A_361 = arith.addi %mul3A_94, %add3A_360 : i32
      %get3A_362 = arith.index_cast %add3A_361 : i32 to index
      %get3A_363 = arith.constant 96 : index
      %get3A_364 = tpu.vector_load %arg7[%get3A_362, %get3A_363] {strides = array<i32>} : memref<512x128xf32, #tpu.memory_space<vmem>>, vector<1x16xf32>,
      %get3A_365 = vector.shape_cast %get3A_364 : vector<1x16xf32> to vector<16xf32>
      %mul3A_366 = arith.mulf %get3A_365, %get3A_121 : vector<16xf32>
      %add3A_367 = arith.addf %add3A_359, %mul3A_366 : vector<16xf32>
      %swap3A_368 = arith.index_cast %scan3A_92 : i32 to index
      %swap3A_369 = arith.constant 96 : index
      %swap3A_370 = tpu.vector_load %arg9[%swap3A_368, %swap3A_369] {strides = array<i32>} : memref<128x128xf32, #tpu.memory_space<vmem>>, vector<1x16xf32>,
      %swap3A_371 = vector.shape_cast %swap3A_370 : vector<1x16xf32> to vector<16xf32>
      %swap3A_372 = vector.shape_cast %add3A_367 : vector<16xf32> to vector<1x16xf32>
      tpu.vector_store %arg9[%swap3A_368, %swap3A_369], %swap3A_372 {strides = array<i32>} : memref<128x128xf32, #tpu.memory_space<vmem>>, vector<1x16xf32>,
      %add3A_373 = arith.constant 0 : i32
      %add3A_374 = arith.addi %mul3A_94, %add3A_373 : i32
      %get3A_375 = arith.index_cast %add3A_374 : i32 to index
      %get3A_376 = arith.constant 112 : index
      %get3A_377 = tpu.vector_load %arg7[%get3A_375, %get3A_376] {strides = array<i32>} : memref<512x128xf32, #tpu.memory_space<vmem>>, vector<1x16xf32>,
      %get3A_378 = vector.shape_cast %get3A_377 : vector<1x16xf32> to vector<16xf32>
      %mul3A_379 = arith.mulf %get3A_378, %get3A_100 : vector<16xf32>
      %add3A_380 = arith.constant 1 : i32
      %add3A_381 = arith.addi %mul3A_94, %add3A_380 : i32
      %get3A_382 = arith.index_cast %add3A_381 : i32 to index
      %get3A_383 = arith.constant 112 : index
      %get3A_384 = tpu.vector_load %arg7[%get3A_382, %get3A_383] {strides = array<i32>} : memref<512x128xf32, #tpu.memory_space<vmem>>, vector<1x16xf32>,
      %get3A_385 = vector.shape_cast %get3A_384 : vector<1x16xf32> to vector<16xf32>
      %mul3A_386 = arith.mulf %get3A_385, %get3A_107 : vector<16xf32>
      %add3A_387 = arith.addf %mul3A_379, %mul3A_386 : vector<16xf32>
      %add3A_388 = arith.constant 2 : i32
      %add3A_389 = arith.addi %mul3A_94, %add3A_388 : i32
      %get3A_390 = arith.index_cast %add3A_389 : i32 to index
      %get3A_391 = arith.constant 112 : index
      %get3A_392 = tpu.vector_load %arg7[%get3A_390, %get3A_391] {strides = array<i32>} : memref<512x128xf32, #tpu.memory_space<vmem>>, vector<1x16xf32>,
      %get3A_393 = vector.shape_cast %get3A_392 : vector<1x16xf32> to vector<16xf32>
      %mul3A_394 = arith.mulf %get3A_393, %get3A_114 : vector<16xf32>
      %add3A_395 = arith.addf %add3A_387, %mul3A_394 : vector<16xf32>
      %add3A_396 = arith.constant 3 : i32
      %add3A_397 = arith.addi %mul3A_94, %add3A_396 : i32
      %get3A_398 = arith.index_cast %add3A_397 : i32 to index
      %get3A_399 = arith.constant 112 : index
      %get3A_400 = tpu.vector_load %arg7[%get3A_398, %get3A_399] {strides = array<i32>} : memref<512x128xf32, #tpu.memory_space<vmem>>, vector<1x16xf32>,
      %get3A_401 = vector.shape_cast %get3A_400 : vector<1x16xf32> to vector<16xf32>
      %mul3A_402 = arith.mulf %get3A_401, %get3A_121 : vector<16xf32>
      %add3A_403 = arith.addf %add3A_395, %mul3A_402 : vector<16xf32>
      %swap3A_404 = arith.index_cast %scan3A_92 : i32 to index
      %swap3A_405 = arith.constant 112 : index
      %swap3A_406 = tpu.vector_load %arg9[%swap3A_404, %swap3A_405] {strides = array<i32>} : memref<128x128xf32, #tpu.memory_space<vmem>>, vector<1x16xf32>,
      %swap3A_407 = vector.shape_cast %swap3A_406 : vector<1x16xf32> to vector<16xf32>
      %swap3A_408 = vector.shape_cast %add3A_403 : vector<16xf32> to vector<1x16xf32>
      tpu.vector_store %arg9[%swap3A_404, %swap3A_405], %swap3A_408 {strides = array<i32>} : memref<128x128xf32, #tpu.memory_space<vmem>>, vector<1x16xf32>,
    }
    %scan3A_61 = arith.constant 32 : i32
    %dma_wait3A_62 = arith.constant 256 : i32
    %dma_wait3A_63 = arith.constant 0 : i32
    %dma_wait3A_64 = tpu.memref_slice %arg7[%dma_wait3A_62, %dma_wait3A_63] : memref<512x128xf32, #tpu.memory_space<vmem>> -> memref<128x128xf32, #tpu.memory_space<vmem>>
    %dma_wait3A_65 = arith.constant 256 : i32
    %dma_wait3A_66 = tpu.memref_slice %arg6[%dma_wait3A_65] : memref<512xi32, #tpu.memory_space<vmem>> -> memref<128xi32, #tpu.memory_space<vmem>>
    %dma_wait3A_67 = arith.constant 0 : i32
    %dma_wait3A_68 = arith.constant 0 : i32
    %dma_wait3A_69 = tpu.memref_slice %arg2[%dma_wait3A_67, %dma_wait3A_68] : memref<4096x128xf32, #tpu.memory_space<hbm>> -> memref<4096x128xf32, #tpu.memory_space<hbm>>
    tpu.wait_indirect_dma semaphore(%arg12 : memref<!tpu.dma_semaphore, #tpu.memory_space<semaphore_mem>>) src(%dma_wait3A_69 : memref<4096x128xf32, #tpu.memory_space<hbm>>) dst(%dma_wait3A_64 : memref<128x128xf32, #tpu.memory_space<vmem>>)
    %scan3A_70 = arith.constant 0 : i32
    %scan3A_71 = arith.constant 64 : i32
    %scan3A_72 = arith.constant 32 : i32
    %scan3A_73 = arith.addi %scan3A_71, %scan3A_72 : i32
    %scan3A_74 = arith.constant 1 : i32
    scf.for %scan3A_92 = %scan3A_71 to %scan3A_73 step %scan3A_74  : i32 {
      %mul3A_93 = arith.constant 4 : i32
      %mul3A_94 = arith.muli %scan3A_92, %mul3A_93 : i32
      %add3A_95 = arith.constant 0 : i32
      %add3A_96 = arith.addi %mul3A_94, %add3A_95 : i32
      %mul3A_97 = arith.constant 16 : i32
      %mul3A_98 = arith.muli %add3A_96, %mul3A_97 : i32
      %get3A = arith.index_cast %mul3A_98 : i32 to index
      %get3A_99 = tpu.vector_load %arg8[%get3A] {strides = array<i32>} : memref<8192xf32, #tpu.memory_space<vmem>>, vector<16xf32>,
      %get3A_100 = vector.shape_cast %get3A_99 : vector<16xf32> to vector<16xf32>
      %add3A_101 = arith.constant 1 : i32
      %add3A_102 = arith.addi %mul3A_94, %add3A_101 : i32
      %mul3A_103 = arith.constant 16 : i32
      %mul3A_104 = arith.muli %add3A_102, %mul3A_103 : i32
      %get3A_105 = arith.index_cast %mul3A_104 : i32 to index
      %get3A_106 = tpu.vector_load %arg8[%get3A_105] {strides = array<i32>} : memref<8192xf32, #tpu.memory_space<vmem>>, vector<16xf32>,
      %get3A_107 = vector.shape_cast %get3A_106 : vector<16xf32> to vector<16xf32>
      %add3A_108 = arith.constant 2 : i32
      %add3A_109 = arith.addi %mul3A_94, %add3A_108 : i32
      %mul3A_110 = arith.constant 16 : i32
      %mul3A_111 = arith.muli %add3A_109, %mul3A_110 : i32
      %get3A_112 = arith.index_cast %mul3A_111 : i32 to index
      %get3A_113 = tpu.vector_load %arg8[%get3A_112] {strides = array<i32>} : memref<8192xf32, #tpu.memory_space<vmem>>, vector<16xf32>,
      %get3A_114 = vector.shape_cast %get3A_113 : vector<16xf32> to vector<16xf32>
      %add3A_115 = arith.constant 3 : i32
      %add3A_116 = arith.addi %mul3A_94, %add3A_115 : i32
      %mul3A_117 = arith.constant 16 : i32
      %mul3A_118 = arith.muli %add3A_116, %mul3A_117 : i32
      %get3A_119 = arith.index_cast %mul3A_118 : i32 to index
      %get3A_120 = tpu.vector_load %arg8[%get3A_119] {strides = array<i32>} : memref<8192xf32, #tpu.memory_space<vmem>>, vector<16xf32>,
      %get3A_121 = vector.shape_cast %get3A_120 : vector<16xf32> to vector<16xf32>
      %add3A_122 = arith.constant 0 : i32
      %add3A_123 = arith.addi %mul3A_94, %add3A_122 : i32
      %get3A_124 = arith.index_cast %add3A_123 : i32 to index
      %get3A_125 = arith.constant 0 : index
      %get3A_126 = tpu.vector_load %arg7[%get3A_124, %get3A_125] {strides = array<i32>} : memref<512x128xf32, #tpu.memory_space<vmem>>, vector<1x16xf32>,
      %get3A_127 = vector.shape_cast %get3A_126 : vector<1x16xf32> to vector<16xf32>
      %mul3A_128 = arith.mulf %get3A_127, %get3A_100 : vector<16xf32>
      %add3A_129 = arith.constant 1 : i32
      %add3A_130 = arith.addi %mul3A_94, %add3A_129 : i32
      %get3A_131 = arith.index_cast %add3A_130 : i32 to index
      %get3A_132 = arith.constant 0 : index
      %get3A_133 = tpu.vector_load %arg7[%get3A_131, %get3A_132] {strides = array<i32>} : memref<512x128xf32, #tpu.memory_space<vmem>>, vector<1x16xf32>,
      %get3A_134 = vector.shape_cast %get3A_133 : vector<1x16xf32> to vector<16xf32>
      %mul3A_135 = arith.mulf %get3A_134, %get3A_107 : vector<16xf32>
      %add3A_136 = arith.addf %mul3A_128, %mul3A_135 : vector<16xf32>
      %add3A_137 = arith.constant 2 : i32
      %add3A_138 = arith.addi %mul3A_94, %add3A_137 : i32
      %get3A_139 = arith.index_cast %add3A_138 : i32 to index
      %get3A_140 = arith.constant 0 : index
      %get3A_141 = tpu.vector_load %arg7[%get3A_139, %get3A_140] {strides = array<i32>} : memref<512x128xf32, #tpu.memory_space<vmem>>, vector<1x16xf32>,
      %get3A_142 = vector.shape_cast %get3A_141 : vector<1x16xf32> to vector<16xf32>
      %mul3A_143 = arith.mulf %get3A_142, %get3A_114 : vector<16xf32>
      %add3A_144 = arith.addf %add3A_136, %mul3A_143 : vector<16xf32>
      %add3A_145 = arith.constant 3 : i32
      %add3A_146 = arith.addi %mul3A_94, %add3A_145 : i32
      %get3A_147 = arith.index_cast %add3A_146 : i32 to index
      %get3A_148 = arith.constant 0 : index
      %get3A_149 = tpu.vector_load %arg7[%get3A_147, %get3A_148] {strides = array<i32>} : memref<512x128xf32, #tpu.memory_space<vmem>>, vector<1x16xf32>,
      %get3A_150 = vector.shape_cast %get3A_149 : vector<1x16xf32> to vector<16xf32>
      %mul3A_151 = arith.mulf %get3A_150, %get3A_121 : vector<16xf32>
      %add3A_152 = arith.addf %add3A_144, %mul3A_151 : vector<16xf32>
      %swap3A = arith.index_cast %scan3A_92 : i32 to index
      %swap3A_153 = arith.constant 0 : index
      %swap3A_154 = tpu.vector_load %arg9[%swap3A, %swap3A_153] {strides = array<i32>} : memref<128x128xf32, #tpu.memory_space<vmem>>, vector<1x16xf32>,
      %swap3A_155 = vector.shape_cast %swap3A_154 : vector<1x16xf32> to vector<16xf32>
      %swap3A_156 = vector.shape_cast %add3A_152 : vector<16xf32> to vector<1x16xf32>
      tpu.vector_store %arg9[%swap3A, %swap3A_153], %swap3A_156 {strides = array<i32>} : memref<128x128xf32, #tpu.memory_space<vmem>>, vector<1x16xf32>,
      %add3A_157 = arith.constant 0 : i32
      %add3A_158 = arith.addi %mul3A_94, %add3A_157 : i32
      %get3A_159 = arith.index_cast %add3A_158 : i32 to index
      %get3A_160 = arith.constant 16 : index
      %get3A_161 = tpu.vector_load %arg7[%get3A_159, %get3A_160] {strides = array<i32>} : memref<512x128xf32, #tpu.memory_space<vmem>>, vector<1x16xf32>,
      %get3A_162 = vector.shape_cast %get3A_161 : vector<1x16xf32> to vector<16xf32>
      %mul3A_163 = arith.mulf %get3A_162, %get3A_100 : vector<16xf32>
      %add3A_164 = arith.constant 1 : i32
      %add3A_165 = arith.addi %mul3A_94, %add3A_164 : i32
      %get3A_166 = arith.index_cast %add3A_165 : i32 to index
      %get3A_167 = arith.constant 16 : index
      %get3A_168 = tpu.vector_load %arg7[%get3A_166, %get3A_167] {strides = array<i32>} : memref<512x128xf32, #tpu.memory_space<vmem>>, vector<1x16xf32>,
      %get3A_169 = vector.shape_cast %get3A_168 : vector<1x16xf32> to vector<16xf32>
      %mul3A_170 = arith.mulf %get3A_169, %get3A_107 : vector<16xf32>
      %add3A_171 = arith.addf %mul3A_163, %mul3A_170 : vector<16xf32>
      %add3A_172 = arith.constant 2 : i32
      %add3A_173 = arith.addi %mul3A_94, %add3A_172 : i32
      %get3A_174 = arith.index_cast %add3A_173 : i32 to index
      %get3A_175 = arith.constant 16 : index
      %get3A_176 = tpu.vector_load %arg7[%get3A_174, %get3A_175] {strides = array<i32>} : memref<512x128xf32, #tpu.memory_space<vmem>>, vector<1x16xf32>,
      %get3A_177 = vector.shape_cast %get3A_176 : vector<1x16xf32> to vector<16xf32>
      %mul3A_178 = arith.mulf %get3A_177, %get3A_114 : vector<16xf32>
      %add3A_179 = arith.addf %add3A_171, %mul3A_178 : vector<16xf32>
      %add3A_180 = arith.constant 3 : i32
      %add3A_181 = arith.addi %mul3A_94, %add3A_180 : i32
      %get3A_182 = arith.index_cast %add3A_181 : i32 to index
      %get3A_183 = arith.constant 16 : index
      %get3A_184 = tpu.vector_load %arg7[%get3A_182, %get3A_183] {strides = array<i32>} : memref<512x128xf32, #tpu.memory_space<vmem>>, vector<1x16xf32>,
      %get3A_185 = vector.shape_cast %get3A_184 : vector<1x16xf32> to vector<16xf32>
      %mul3A_186 = arith.mulf %get3A_185, %get3A_121 : vector<16xf32>
      %add3A_187 = arith.addf %add3A_179, %mul3A_186 : vector<16xf32>
      %swap3A_188 = arith.index_cast %scan3A_92 : i32 to index
      %swap3A_189 = arith.constant 16 : index
      %swap3A_190 = tpu.vector_load %arg9[%swap3A_188, %swap3A_189] {strides = array<i32>} : memref<128x128xf32, #tpu.memory_space<vmem>>, vector<1x16xf32>,
      %swap3A_191 = vector.shape_cast %swap3A_190 : vector<1x16xf32> to vector<16xf32>
      %swap3A_192 = vector.shape_cast %add3A_187 : vector<16xf32> to vector<1x16xf32>
      tpu.vector_store %arg9[%swap3A_188, %swap3A_189], %swap3A_192 {strides = array<i32>} : memref<128x128xf32, #tpu.memory_space<vmem>>, vector<1x16xf32>,
      %add3A_193 = arith.constant 0 : i32
      %add3A_194 = arith.addi %mul3A_94, %add3A_193 : i32
      %get3A_195 = arith.index_cast %add3A_194 : i32 to index
      %get3A_196 = arith.constant 32 : index
      %get3A_197 = tpu.vector_load %arg7[%get3A_195, %get3A_196] {strides = array<i32>} : memref<512x128xf32, #tpu.memory_space<vmem>>, vector<1x16xf32>,
      %get3A_198 = vector.shape_cast %get3A_197 : vector<1x16xf32> to vector<16xf32>
      %mul3A_199 = arith.mulf %get3A_198, %get3A_100 : vector<16xf32>
      %add3A_200 = arith.constant 1 : i32
      %add3A_201 = arith.addi %mul3A_94, %add3A_200 : i32
      %get3A_202 = arith.index_cast %add3A_201 : i32 to index
      %get3A_203 = arith.constant 32 : index
      %get3A_204 = tpu.vector_load %arg7[%get3A_202, %get3A_203] {strides = array<i32>} : memref<512x128xf32, #tpu.memory_space<vmem>>, vector<1x16xf32>,
      %get3A_205 = vector.shape_cast %get3A_204 : vector<1x16xf32> to vector<16xf32>
      %mul3A_206 = arith.mulf %get3A_205, %get3A_107 : vector<16xf32>
      %add3A_207 = arith.addf %mul3A_199, %mul3A_206 : vector<16xf32>
      %add3A_208 = arith.constant 2 : i32
      %add3A_209 = arith.addi %mul3A_94, %add3A_208 : i32
      %get3A_210 = arith.index_cast %add3A_209 : i32 to index
      %get3A_211 = arith.constant 32 : index
      %get3A_212 = tpu.vector_load %arg7[%get3A_210, %get3A_211] {strides = array<i32>} : memref<512x128xf32, #tpu.memory_space<vmem>>, vector<1x16xf32>,
      %get3A_213 = vector.shape_cast %get3A_212 : vector<1x16xf32> to vector<16xf32>
      %mul3A_214 = arith.mulf %get3A_213, %get3A_114 : vector<16xf32>
      %add3A_215 = arith.addf %add3A_207, %mul3A_214 : vector<16xf32>
      %add3A_216 = arith.constant 3 : i32
      %add3A_217 = arith.addi %mul3A_94, %add3A_216 : i32
      %get3A_218 = arith.index_cast %add3A_217 : i32 to index
      %get3A_219 = arith.constant 32 : index
      %get3A_220 = tpu.vector_load %arg7[%get3A_218, %get3A_219] {strides = array<i32>} : memref<512x128xf32, #tpu.memory_space<vmem>>, vector<1x16xf32>,
      %get3A_221 = vector.shape_cast %get3A_220 : vector<1x16xf32> to vector<16xf32>
      %mul3A_222 = arith.mulf %get3A_221, %get3A_121 : vector<16xf32>
      %add3A_223 = arith.addf %add3A_215, %mul3A_222 : vector<16xf32>
      %swap3A_224 = arith.index_cast %scan3A_92 : i32 to index
      %swap3A_225 = arith.constant 32 : index
      %swap3A_226 = tpu.vector_load %arg9[%swap3A_224, %swap3A_225] {strides = array<i32>} : memref<128x128xf32, #tpu.memory_space<vmem>>, vector<1x16xf32>,
      %swap3A_227 = vector.shape_cast %swap3A_226 : vector<1x16xf32> to vector<16xf32>
      %swap3A_228 = vector.shape_cast %add3A_223 : vector<16xf32> to vector<1x16xf32>
      tpu.vector_store %arg9[%swap3A_224, %swap3A_225], %swap3A_228 {strides = array<i32>} : memref<128x128xf32, #tpu.memory_space<vmem>>, vector<1x16xf32>,
      %add3A_229 = arith.constant 0 : i32
      %add3A_230 = arith.addi %mul3A_94, %add3A_229 : i32
      %get3A_231 = arith.index_cast %add3A_230 : i32 to index
      %get3A_232 = arith.constant 48 : index
      %get3A_233 = tpu.vector_load %arg7[%get3A_231, %get3A_232] {strides = array<i32>} : memref<512x128xf32, #tpu.memory_space<vmem>>, vector<1x16xf32>,
      %get3A_234 = vector.shape_cast %get3A_233 : vector<1x16xf32> to vector<16xf32>
      %mul3A_235 = arith.mulf %get3A_234, %get3A_100 : vector<16xf32>
      %add3A_236 = arith.constant 1 : i32
      %add3A_237 = arith.addi %mul3A_94, %add3A_236 : i32
      %get3A_238 = arith.index_cast %add3A_237 : i32 to index
      %get3A_239 = arith.constant 48 : index
      %get3A_240 = tpu.vector_load %arg7[%get3A_238, %get3A_239] {strides = array<i32>} : memref<512x128xf32, #tpu.memory_space<vmem>>, vector<1x16xf32>,
      %get3A_241 = vector.shape_cast %get3A_240 : vector<1x16xf32> to vector<16xf32>
      %mul3A_242 = arith.mulf %get3A_241, %get3A_107 : vector<16xf32>
      %add3A_243 = arith.addf %mul3A_235, %mul3A_242 : vector<16xf32>
      %add3A_244 = arith.constant 2 : i32
      %add3A_245 = arith.addi %mul3A_94, %add3A_244 : i32
      %get3A_246 = arith.index_cast %add3A_245 : i32 to index
      %get3A_247 = arith.constant 48 : index
      %get3A_248 = tpu.vector_load %arg7[%get3A_246, %get3A_247] {strides = array<i32>} : memref<512x128xf32, #tpu.memory_space<vmem>>, vector<1x16xf32>,
      %get3A_249 = vector.shape_cast %get3A_248 : vector<1x16xf32> to vector<16xf32>
      %mul3A_250 = arith.mulf %get3A_249, %get3A_114 : vector<16xf32>
      %add3A_251 = arith.addf %add3A_243, %mul3A_250 : vector<16xf32>
      %add3A_252 = arith.constant 3 : i32
      %add3A_253 = arith.addi %mul3A_94, %add3A_252 : i32
      %get3A_254 = arith.index_cast %add3A_253 : i32 to index
      %get3A_255 = arith.constant 48 : index
      %get3A_256 = tpu.vector_load %arg7[%get3A_254, %get3A_255] {strides = array<i32>} : memref<512x128xf32, #tpu.memory_space<vmem>>, vector<1x16xf32>,
      %get3A_257 = vector.shape_cast %get3A_256 : vector<1x16xf32> to vector<16xf32>
      %mul3A_258 = arith.mulf %get3A_257, %get3A_121 : vector<16xf32>
      %add3A_259 = arith.addf %add3A_251, %mul3A_258 : vector<16xf32>
      %swap3A_260 = arith.index_cast %scan3A_92 : i32 to index
      %swap3A_261 = arith.constant 48 : index
      %swap3A_262 = tpu.vector_load %arg9[%swap3A_260, %swap3A_261] {strides = array<i32>} : memref<128x128xf32, #tpu.memory_space<vmem>>, vector<1x16xf32>,
      %swap3A_263 = vector.shape_cast %swap3A_262 : vector<1x16xf32> to vector<16xf32>
      %swap3A_264 = vector.shape_cast %add3A_259 : vector<16xf32> to vector<1x16xf32>
      tpu.vector_store %arg9[%swap3A_260, %swap3A_261], %swap3A_264 {strides = array<i32>} : memref<128x128xf32, #tpu.memory_space<vmem>>, vector<1x16xf32>,
      %add3A_265 = arith.constant 0 : i32
      %add3A_266 = arith.addi %mul3A_94, %add3A_265 : i32
      %get3A_267 = arith.index_cast %add3A_266 : i32 to index
      %get3A_268 = arith.constant 64 : index
      %get3A_269 = tpu.vector_load %arg7[%get3A_267, %get3A_268] {strides = array<i32>} : memref<512x128xf32, #tpu.memory_space<vmem>>, vector<1x16xf32>,
      %get3A_270 = vector.shape_cast %get3A_269 : vector<1x16xf32> to vector<16xf32>
      %mul3A_271 = arith.mulf %get3A_270, %get3A_100 : vector<16xf32>
      %add3A_272 = arith.constant 1 : i32
      %add3A_273 = arith.addi %mul3A_94, %add3A_272 : i32
      %get3A_274 = arith.index_cast %add3A_273 : i32 to index
      %get3A_275 = arith.constant 64 : index
      %get3A_276 = tpu.vector_load %arg7[%get3A_274, %get3A_275] {strides = array<i32>} : memref<512x128xf32, #tpu.memory_space<vmem>>, vector<1x16xf32>,
      %get3A_277 = vector.shape_cast %get3A_276 : vector<1x16xf32> to vector<16xf32>
      %mul3A_278 = arith.mulf %get3A_277, %get3A_107 : vector<16xf32>
      %add3A_279 = arith.addf %mul3A_271, %mul3A_278 : vector<16xf32>
      %add3A_280 = arith.constant 2 : i32
      %add3A_281 = arith.addi %mul3A_94, %add3A_280 : i32
      %get3A_282 = arith.index_cast %add3A_281 : i32 to index
      %get3A_283 = arith.constant 64 : index
      %get3A_284 = tpu.vector_load %arg7[%get3A_282, %get3A_283] {strides = array<i32>} : memref<512x128xf32, #tpu.memory_space<vmem>>, vector<1x16xf32>,
      %get3A_285 = vector.shape_cast %get3A_284 : vector<1x16xf32> to vector<16xf32>
      %mul3A_286 = arith.mulf %get3A_285, %get3A_114 : vector<16xf32>
      %add3A_287 = arith.addf %add3A_279, %mul3A_286 : vector<16xf32>
      %add3A_288 = arith.constant 3 : i32
      %add3A_289 = arith.addi %mul3A_94, %add3A_288 : i32
      %get3A_290 = arith.index_cast %add3A_289 : i32 to index
      %get3A_291 = arith.constant 64 : index
      %get3A_292 = tpu.vector_load %arg7[%get3A_290, %get3A_291] {strides = array<i32>} : memref<512x128xf32, #tpu.memory_space<vmem>>, vector<1x16xf32>,
      %get3A_293 = vector.shape_cast %get3A_292 : vector<1x16xf32> to vector<16xf32>
      %mul3A_294 = arith.mulf %get3A_293, %get3A_121 : vector<16xf32>
      %add3A_295 = arith.addf %add3A_287, %mul3A_294 : vector<16xf32>
      %swap3A_296 = arith.index_cast %scan3A_92 : i32 to index
      %swap3A_297 = arith.constant 64 : index
      %swap3A_298 = tpu.vector_load %arg9[%swap3A_296, %swap3A_297] {strides = array<i32>} : memref<128x128xf32, #tpu.memory_space<vmem>>, vector<1x16xf32>,
      %swap3A_299 = vector.shape_cast %swap3A_298 : vector<1x16xf32> to vector<16xf32>
      %swap3A_300 = vector.shape_cast %add3A_295 : vector<16xf32> to vector<1x16xf32>
      tpu.vector_store %arg9[%swap3A_296, %swap3A_297], %swap3A_300 {strides = array<i32>} : memref<128x128xf32, #tpu.memory_space<vmem>>, vector<1x16xf32>,
      %add3A_301 = arith.constant 0 : i32
      %add3A_302 = arith.addi %mul3A_94, %add3A_301 : i32
      %get3A_303 = arith.index_cast %add3A_302 : i32 to index
      %get3A_304 = arith.constant 80 : index
      %get3A_305 = tpu.vector_load %arg7[%get3A_303, %get3A_304] {strides = array<i32>} : memref<512x128xf32, #tpu.memory_space<vmem>>, vector<1x16xf32>,
      %get3A_306 = vector.shape_cast %get3A_305 : vector<1x16xf32> to vector<16xf32>
      %mul3A_307 = arith.mulf %get3A_306, %get3A_100 : vector<16xf32>
      %add3A_308 = arith.constant 1 : i32
      %add3A_309 = arith.addi %mul3A_94, %add3A_308 : i32
      %get3A_310 = arith.index_cast %add3A_309 : i32 to index
      %get3A_311 = arith.constant 80 : index
      %get3A_312 = tpu.vector_load %arg7[%get3A_310, %get3A_311] {strides = array<i32>} : memref<512x128xf32, #tpu.memory_space<vmem>>, vector<1x16xf32>,
      %get3A_313 = vector.shape_cast %get3A_312 : vector<1x16xf32> to vector<16xf32>
      %mul3A_314 = arith.mulf %get3A_313, %get3A_107 : vector<16xf32>
      %add3A_315 = arith.addf %mul3A_307, %mul3A_314 : vector<16xf32>
      %add3A_316 = arith.constant 2 : i32
      %add3A_317 = arith.addi %mul3A_94, %add3A_316 : i32
      %get3A_318 = arith.index_cast %add3A_317 : i32 to index
      %get3A_319 = arith.constant 80 : index
      %get3A_320 = tpu.vector_load %arg7[%get3A_318, %get3A_319] {strides = array<i32>} : memref<512x128xf32, #tpu.memory_space<vmem>>, vector<1x16xf32>,
      %get3A_321 = vector.shape_cast %get3A_320 : vector<1x16xf32> to vector<16xf32>
      %mul3A_322 = arith.mulf %get3A_321, %get3A_114 : vector<16xf32>
      %add3A_323 = arith.addf %add3A_315, %mul3A_322 : vector<16xf32>
      %add3A_324 = arith.constant 3 : i32
      %add3A_325 = arith.addi %mul3A_94, %add3A_324 : i32
      %get3A_326 = arith.index_cast %add3A_325 : i32 to index
      %get3A_327 = arith.constant 80 : index
      %get3A_328 = tpu.vector_load %arg7[%get3A_326, %get3A_327] {strides = array<i32>} : memref<512x128xf32, #tpu.memory_space<vmem>>, vector<1x16xf32>,
      %get3A_329 = vector.shape_cast %get3A_328 : vector<1x16xf32> to vector<16xf32>
      %mul3A_330 = arith.mulf %get3A_329, %get3A_121 : vector<16xf32>
      %add3A_331 = arith.addf %add3A_323, %mul3A_330 : vector<16xf32>
      %swap3A_332 = arith.index_cast %scan3A_92 : i32 to index
      %swap3A_333 = arith.constant 80 : index
      %swap3A_334 = tpu.vector_load %arg9[%swap3A_332, %swap3A_333] {strides = array<i32>} : memref<128x128xf32, #tpu.memory_space<vmem>>, vector<1x16xf32>,
      %swap3A_335 = vector.shape_cast %swap3A_334 : vector<1x16xf32> to vector<16xf32>
      %swap3A_336 = vector.shape_cast %add3A_331 : vector<16xf32> to vector<1x16xf32>
      tpu.vector_store %arg9[%swap3A_332, %swap3A_333], %swap3A_336 {strides = array<i32>} : memref<128x128xf32, #tpu.memory_space<vmem>>, vector<1x16xf32>,
      %add3A_337 = arith.constant 0 : i32
      %add3A_338 = arith.addi %mul3A_94, %add3A_337 : i32
      %get3A_339 = arith.index_cast %add3A_338 : i32 to index
      %get3A_340 = arith.constant 96 : index
      %get3A_341 = tpu.vector_load %arg7[%get3A_339, %get3A_340] {strides = array<i32>} : memref<512x128xf32, #tpu.memory_space<vmem>>, vector<1x16xf32>,
      %get3A_342 = vector.shape_cast %get3A_341 : vector<1x16xf32> to vector<16xf32>
      %mul3A_343 = arith.mulf %get3A_342, %get3A_100 : vector<16xf32>
      %add3A_344 = arith.constant 1 : i32
      %add3A_345 = arith.addi %mul3A_94, %add3A_344 : i32
      %get3A_346 = arith.index_cast %add3A_345 : i32 to index
      %get3A_347 = arith.constant 96 : index
      %get3A_348 = tpu.vector_load %arg7[%get3A_346, %get3A_347] {strides = array<i32>} : memref<512x128xf32, #tpu.memory_space<vmem>>, vector<1x16xf32>,
      %get3A_349 = vector.shape_cast %get3A_348 : vector<1x16xf32> to vector<16xf32>
      %mul3A_350 = arith.mulf %get3A_349, %get3A_107 : vector<16xf32>
      %add3A_351 = arith.addf %mul3A_343, %mul3A_350 : vector<16xf32>
      %add3A_352 = arith.constant 2 : i32
      %add3A_353 = arith.addi %mul3A_94, %add3A_352 : i32
      %get3A_354 = arith.index_cast %add3A_353 : i32 to index
      %get3A_355 = arith.constant 96 : index
      %get3A_356 = tpu.vector_load %arg7[%get3A_354, %get3A_355] {strides = array<i32>} : memref<512x128xf32, #tpu.memory_space<vmem>>, vector<1x16xf32>,
      %get3A_357 = vector.shape_cast %get3A_356 : vector<1x16xf32> to vector<16xf32>
      %mul3A_358 = arith.mulf %get3A_357, %get3A_114 : vector<16xf32>
      %add3A_359 = arith.addf %add3A_351, %mul3A_358 : vector<16xf32>
      %add3A_360 = arith.constant 3 : i32
      %add3A_361 = arith.addi %mul3A_94, %add3A_360 : i32
      %get3A_362 = arith.index_cast %add3A_361 : i32 to index
      %get3A_363 = arith.constant 96 : index
      %get3A_364 = tpu.vector_load %arg7[%get3A_362, %get3A_363] {strides = array<i32>} : memref<512x128xf32, #tpu.memory_space<vmem>>, vector<1x16xf32>,
      %get3A_365 = vector.shape_cast %get3A_364 : vector<1x16xf32> to vector<16xf32>
      %mul3A_366 = arith.mulf %get3A_365, %get3A_121 : vector<16xf32>
      %add3A_367 = arith.addf %add3A_359, %mul3A_366 : vector<16xf32>
      %swap3A_368 = arith.index_cast %scan3A_92 : i32 to index
      %swap3A_369 = arith.constant 96 : index
      %swap3A_370 = tpu.vector_load %arg9[%swap3A_368, %swap3A_369] {strides = array<i32>} : memref<128x128xf32, #tpu.memory_space<vmem>>, vector<1x16xf32>,
      %swap3A_371 = vector.shape_cast %swap3A_370 : vector<1x16xf32> to vector<16xf32>
      %swap3A_372 = vector.shape_cast %add3A_367 : vector<16xf32> to vector<1x16xf32>
      tpu.vector_store %arg9[%swap3A_368, %swap3A_369], %swap3A_372 {strides = array<i32>} : memref<128x128xf32, #tpu.memory_space<vmem>>, vector<1x16xf32>,
      %add3A_373 = arith.constant 0 : i32
      %add3A_374 = arith.addi %mul3A_94, %add3A_373 : i32
      %get3A_375 = arith.index_cast %add3A_374 : i32 to index
      %get3A_376 = arith.constant 112 : index
      %get3A_377 = tpu.vector_load %arg7[%get3A_375, %get3A_376] {strides = array<i32>} : memref<512x128xf32, #tpu.memory_space<vmem>>, vector<1x16xf32>,
      %get3A_378 = vector.shape_cast %get3A_377 : vector<1x16xf32> to vector<16xf32>
      %mul3A_379 = arith.mulf %get3A_378, %get3A_100 : vector<16xf32>
      %add3A_380 = arith.constant 1 : i32
      %add3A_381 = arith.addi %mul3A_94, %add3A_380 : i32
      %get3A_382 = arith.index_cast %add3A_381 : i32 to index
      %get3A_383 = arith.constant 112 : index
      %get3A_384 = tpu.vector_load %arg7[%get3A_382, %get3A_383] {strides = array<i32>} : memref<512x128xf32, #tpu.memory_space<vmem>>, vector<1x16xf32>,
      %get3A_385 = vector.shape_cast %get3A_384 : vector<1x16xf32> to vector<16xf32>
      %mul3A_386 = arith.mulf %get3A_385, %get3A_107 : vector<16xf32>
      %add3A_387 = arith.addf %mul3A_379, %mul3A_386 : vector<16xf32>
      %add3A_388 = arith.constant 2 : i32
      %add3A_389 = arith.addi %mul3A_94, %add3A_388 : i32
      %get3A_390 = arith.index_cast %add3A_389 : i32 to index
      %get3A_391 = arith.constant 112 : index
      %get3A_392 = tpu.vector_load %arg7[%get3A_390, %get3A_391] {strides = array<i32>} : memref<512x128xf32, #tpu.memory_space<vmem>>, vector<1x16xf32>,
      %get3A_393 = vector.shape_cast %get3A_392 : vector<1x16xf32> to vector<16xf32>
      %mul3A_394 = arith.mulf %get3A_393, %get3A_114 : vector<16xf32>
      %add3A_395 = arith.addf %add3A_387, %mul3A_394 : vector<16xf32>
      %add3A_396 = arith.constant 3 : i32
      %add3A_397 = arith.addi %mul3A_94, %add3A_396 : i32
      %get3A_398 = arith.index_cast %add3A_397 : i32 to index
      %get3A_399 = arith.constant 112 : index
      %get3A_400 = tpu.vector_load %arg7[%get3A_398, %get3A_399] {strides = array<i32>} : memref<512x128xf32, #tpu.memory_space<vmem>>, vector<1x16xf32>,
      %get3A_401 = vector.shape_cast %get3A_400 : vector<1x16xf32> to vector<16xf32>
      %mul3A_402 = arith.mulf %get3A_401, %get3A_121 : vector<16xf32>
      %add3A_403 = arith.addf %add3A_395, %mul3A_402 : vector<16xf32>
      %swap3A_404 = arith.index_cast %scan3A_92 : i32 to index
      %swap3A_405 = arith.constant 112 : index
      %swap3A_406 = tpu.vector_load %arg9[%swap3A_404, %swap3A_405] {strides = array<i32>} : memref<128x128xf32, #tpu.memory_space<vmem>>, vector<1x16xf32>,
      %swap3A_407 = vector.shape_cast %swap3A_406 : vector<1x16xf32> to vector<16xf32>
      %swap3A_408 = vector.shape_cast %add3A_403 : vector<16xf32> to vector<1x16xf32>
      tpu.vector_store %arg9[%swap3A_404, %swap3A_405], %swap3A_408 {strides = array<i32>} : memref<128x128xf32, #tpu.memory_space<vmem>>, vector<1x16xf32>,
    }
    %scan3A_75 = arith.constant 32 : i32
    %dma_wait3A_76 = arith.constant 384 : i32
    %dma_wait3A_77 = arith.constant 0 : i32
    %dma_wait3A_78 = tpu.memref_slice %arg7[%dma_wait3A_76, %dma_wait3A_77] : memref<512x128xf32, #tpu.memory_space<vmem>> -> memref<128x128xf32, #tpu.memory_space<vmem>>
    %dma_wait3A_79 = arith.constant 384 : i32
    %dma_wait3A_80 = tpu.memref_slice %arg6[%dma_wait3A_79] : memref<512xi32, #tpu.memory_space<vmem>> -> memref<128xi32, #tpu.memory_space<vmem>>
    %dma_wait3A_81 = arith.constant 0 : i32
    %dma_wait3A_82 = arith.constant 0 : i32
    %dma_wait3A_83 = tpu.memref_slice %arg2[%dma_wait3A_81, %dma_wait3A_82] : memref<4096x128xf32, #tpu.memory_space<hbm>> -> memref<4096x128xf32, #tpu.memory_space<hbm>>
    tpu.wait_indirect_dma semaphore(%arg13 : memref<!tpu.dma_semaphore, #tpu.memory_space<semaphore_mem>>) src(%dma_wait3A_83 : memref<4096x128xf32, #tpu.memory_space<hbm>>) dst(%dma_wait3A_78 : memref<128x128xf32, #tpu.memory_space<vmem>>)
    %scan3A_84 = arith.constant 0 : i32
    %scan3A_85 = arith.constant 96 : i32
    %scan3A_86 = arith.constant 32 : i32
    %scan3A_87 = arith.addi %scan3A_85, %scan3A_86 : i32
    %scan3A_88 = arith.constant 1 : i32
    scf.for %scan3A_92 = %scan3A_85 to %scan3A_87 step %scan3A_88  : i32 {
      %mul3A_93 = arith.constant 4 : i32
      %mul3A_94 = arith.muli %scan3A_92, %mul3A_93 : i32
      %add3A_95 = arith.constant 0 : i32
      %add3A_96 = arith.addi %mul3A_94, %add3A_95 : i32
      %mul3A_97 = arith.constant 16 : i32
      %mul3A_98 = arith.muli %add3A_96, %mul3A_97 : i32
      %get3A = arith.index_cast %mul3A_98 : i32 to index
      %get3A_99 = tpu.vector_load %arg8[%get3A] {strides = array<i32>} : memref<8192xf32, #tpu.memory_space<vmem>>, vector<16xf32>,
      %get3A_100 = vector.shape_cast %get3A_99 : vector<16xf32> to vector<16xf32>
      %add3A_101 = arith.constant 1 : i32
      %add3A_102 = arith.addi %mul3A_94, %add3A_101 : i32
      %mul3A_103 = arith.constant 16 : i32
      %mul3A_104 = arith.muli %add3A_102, %mul3A_103 : i32
      %get3A_105 = arith.index_cast %mul3A_104 : i32 to index
      %get3A_106 = tpu.vector_load %arg8[%get3A_105] {strides = array<i32>} : memref<8192xf32, #tpu.memory_space<vmem>>, vector<16xf32>,
      %get3A_107 = vector.shape_cast %get3A_106 : vector<16xf32> to vector<16xf32>
      %add3A_108 = arith.constant 2 : i32
      %add3A_109 = arith.addi %mul3A_94, %add3A_108 : i32
      %mul3A_110 = arith.constant 16 : i32
      %mul3A_111 = arith.muli %add3A_109, %mul3A_110 : i32
      %get3A_112 = arith.index_cast %mul3A_111 : i32 to index
      %get3A_113 = tpu.vector_load %arg8[%get3A_112] {strides = array<i32>} : memref<8192xf32, #tpu.memory_space<vmem>>, vector<16xf32>,
      %get3A_114 = vector.shape_cast %get3A_113 : vector<16xf32> to vector<16xf32>
      %add3A_115 = arith.constant 3 : i32
      %add3A_116 = arith.addi %mul3A_94, %add3A_115 : i32
      %mul3A_117 = arith.constant 16 : i32
      %mul3A_118 = arith.muli %add3A_116, %mul3A_117 : i32
      %get3A_119 = arith.index_cast %mul3A_118 : i32 to index
      %get3A_120 = tpu.vector_load %arg8[%get3A_119] {strides = array<i32>} : memref<8192xf32, #tpu.memory_space<vmem>>, vector<16xf32>,
      %get3A_121 = vector.shape_cast %get3A_120 : vector<16xf32> to vector<16xf32>
      %add3A_122 = arith.constant 0 : i32
      %add3A_123 = arith.addi %mul3A_94, %add3A_122 : i32
      %get3A_124 = arith.index_cast %add3A_123 : i32 to index
      %get3A_125 = arith.constant 0 : index
      %get3A_126 = tpu.vector_load %arg7[%get3A_124, %get3A_125] {strides = array<i32>} : memref<512x128xf32, #tpu.memory_space<vmem>>, vector<1x16xf32>,
      %get3A_127 = vector.shape_cast %get3A_126 : vector<1x16xf32> to vector<16xf32>
      %mul3A_128 = arith.mulf %get3A_127, %get3A_100 : vector<16xf32>
      %add3A_129 = arith.constant 1 : i32
      %add3A_130 = arith.addi %mul3A_94, %add3A_129 : i32
      %get3A_131 = arith.index_cast %add3A_130 : i32 to index
      %get3A_132 = arith.constant 0 : index
      %get3A_133 = tpu.vector_load %arg7[%get3A_131, %get3A_132] {strides = array<i32>} : memref<512x128xf32, #tpu.memory_space<vmem>>, vector<1x16xf32>,
      %get3A_134 = vector.shape_cast %get3A_133 : vector<1x16xf32> to vector<16xf32>
      %mul3A_135 = arith.mulf %get3A_134, %get3A_107 : vector<16xf32>
      %add3A_136 = arith.addf %mul3A_128, %mul3A_135 : vector<16xf32>
      %add3A_137 = arith.constant 2 : i32
      %add3A_138 = arith.addi %mul3A_94, %add3A_137 : i32
      %get3A_139 = arith.index_cast %add3A_138 : i32 to index
      %get3A_140 = arith.constant 0 : index
      %get3A_141 = tpu.vector_load %arg7[%get3A_139, %get3A_140] {strides = array<i32>} : memref<512x128xf32, #tpu.memory_space<vmem>>, vector<1x16xf32>,
      %get3A_142 = vector.shape_cast %get3A_141 : vector<1x16xf32> to vector<16xf32>
      %mul3A_143 = arith.mulf %get3A_142, %get3A_114 : vector<16xf32>
      %add3A_144 = arith.addf %add3A_136, %mul3A_143 : vector<16xf32>
      %add3A_145 = arith.constant 3 : i32
      %add3A_146 = arith.addi %mul3A_94, %add3A_145 : i32
      %get3A_147 = arith.index_cast %add3A_146 : i32 to index
      %get3A_148 = arith.constant 0 : index
      %get3A_149 = tpu.vector_load %arg7[%get3A_147, %get3A_148] {strides = array<i32>} : memref<512x128xf32, #tpu.memory_space<vmem>>, vector<1x16xf32>,
      %get3A_150 = vector.shape_cast %get3A_149 : vector<1x16xf32> to vector<16xf32>
      %mul3A_151 = arith.mulf %get3A_150, %get3A_121 : vector<16xf32>
      %add3A_152 = arith.addf %add3A_144, %mul3A_151 : vector<16xf32>
      %swap3A = arith.index_cast %scan3A_92 : i32 to index
      %swap3A_153 = arith.constant 0 : index
      %swap3A_154 = tpu.vector_load %arg9[%swap3A, %swap3A_153] {strides = array<i32>} : memref<128x128xf32, #tpu.memory_space<vmem>>, vector<1x16xf32>,
      %swap3A_155 = vector.shape_cast %swap3A_154 : vector<1x16xf32> to vector<16xf32>
      %swap3A_156 = vector.shape_cast %add3A_152 : vector<16xf32> to vector<1x16xf32>
      tpu.vector_store %arg9[%swap3A, %swap3A_153], %swap3A_156 {strides = array<i32>} : memref<128x128xf32, #tpu.memory_space<vmem>>, vector<1x16xf32>,
      %add3A_157 = arith.constant 0 : i32
      %add3A_158 = arith.addi %mul3A_94, %add3A_157 : i32
      %get3A_159 = arith.index_cast %add3A_158 : i32 to index
      %get3A_160 = arith.constant 16 : index
      %get3A_161 = tpu.vector_load %arg7[%get3A_159, %get3A_160] {strides = array<i32>} : memref<512x128xf32, #tpu.memory_space<vmem>>, vector<1x16xf32>,
      %get3A_162 = vector.shape_cast %get3A_161 : vector<1x16xf32> to vector<16xf32>
      %mul3A_163 = arith.mulf %get3A_162, %get3A_100 : vector<16xf32>
      %add3A_164 = arith.constant 1 : i32
      %add3A_165 = arith.addi %mul3A_94, %add3A_164 : i32
      %get3A_166 = arith.index_cast %add3A_165 : i32 to index
      %get3A_167 = arith.constant 16 : index
      %get3A_168 = tpu.vector_load %arg7[%get3A_166, %get3A_167] {strides = array<i32>} : memref<512x128xf32, #tpu.memory_space<vmem>>, vector<1x16xf32>,
      %get3A_169 = vector.shape_cast %get3A_168 : vector<1x16xf32> to vector<16xf32>
      %mul3A_170 = arith.mulf %get3A_169, %get3A_107 : vector<16xf32>
      %add3A_171 = arith.addf %mul3A_163, %mul3A_170 : vector<16xf32>
      %add3A_172 = arith.constant 2 : i32
      %add3A_173 = arith.addi %mul3A_94, %add3A_172 : i32
      %get3A_174 = arith.index_cast %add3A_173 : i32 to index
      %get3A_175 = arith.constant 16 : index
      %get3A_176 = tpu.vector_load %arg7[%get3A_174, %get3A_175] {strides = array<i32>} : memref<512x128xf32, #tpu.memory_space<vmem>>, vector<1x16xf32>,
      %get3A_177 = vector.shape_cast %get3A_176 : vector<1x16xf32> to vector<16xf32>
      %mul3A_178 = arith.mulf %get3A_177, %get3A_114 : vector<16xf32>
      %add3A_179 = arith.addf %add3A_171, %mul3A_178 : vector<16xf32>
      %add3A_180 = arith.constant 3 : i32
      %add3A_181 = arith.addi %mul3A_94, %add3A_180 : i32
      %get3A_182 = arith.index_cast %add3A_181 : i32 to index
      %get3A_183 = arith.constant 16 : index
      %get3A_184 = tpu.vector_load %arg7[%get3A_182, %get3A_183] {strides = array<i32>} : memref<512x128xf32, #tpu.memory_space<vmem>>, vector<1x16xf32>,
      %get3A_185 = vector.shape_cast %get3A_184 : vector<1x16xf32> to vector<16xf32>
      %mul3A_186 = arith.mulf %get3A_185, %get3A_121 : vector<16xf32>
      %add3A_187 = arith.addf %add3A_179, %mul3A_186 : vector<16xf32>
      %swap3A_188 = arith.index_cast %scan3A_92 : i32 to index
      %swap3A_189 = arith.constant 16 : index
      %swap3A_190 = tpu.vector_load %arg9[%swap3A_188, %swap3A_189] {strides = array<i32>} : memref<128x128xf32, #tpu.memory_space<vmem>>, vector<1x16xf32>,
      %swap3A_191 = vector.shape_cast %swap3A_190 : vector<1x16xf32> to vector<16xf32>
      %swap3A_192 = vector.shape_cast %add3A_187 : vector<16xf32> to vector<1x16xf32>
      tpu.vector_store %arg9[%swap3A_188, %swap3A_189], %swap3A_192 {strides = array<i32>} : memref<128x128xf32, #tpu.memory_space<vmem>>, vector<1x16xf32>,
      %add3A_193 = arith.constant 0 : i32
      %add3A_194 = arith.addi %mul3A_94, %add3A_193 : i32
      %get3A_195 = arith.index_cast %add3A_194 : i32 to index
      %get3A_196 = arith.constant 32 : index
      %get3A_197 = tpu.vector_load %arg7[%get3A_195, %get3A_196] {strides = array<i32>} : memref<512x128xf32, #tpu.memory_space<vmem>>, vector<1x16xf32>,
      %get3A_198 = vector.shape_cast %get3A_197 : vector<1x16xf32> to vector<16xf32>
      %mul3A_199 = arith.mulf %get3A_198, %get3A_100 : vector<16xf32>
      %add3A_200 = arith.constant 1 : i32
      %add3A_201 = arith.addi %mul3A_94, %add3A_200 : i32
      %get3A_202 = arith.index_cast %add3A_201 : i32 to index
      %get3A_203 = arith.constant 32 : index
      %get3A_204 = tpu.vector_load %arg7[%get3A_202, %get3A_203] {strides = array<i32>} : memref<512x128xf32, #tpu.memory_space<vmem>>, vector<1x16xf32>,
      %get3A_205 = vector.shape_cast %get3A_204 : vector<1x16xf32> to vector<16xf32>
      %mul3A_206 = arith.mulf %get3A_205, %get3A_107 : vector<16xf32>
      %add3A_207 = arith.addf %mul3A_199, %mul3A_206 : vector<16xf32>
      %add3A_208 = arith.constant 2 : i32
      %add3A_209 = arith.addi %mul3A_94, %add3A_208 : i32
      %get3A_210 = arith.index_cast %add3A_209 : i32 to index
      %get3A_211 = arith.constant 32 : index
      %get3A_212 = tpu.vector_load %arg7[%get3A_210, %get3A_211] {strides = array<i32>} : memref<512x128xf32, #tpu.memory_space<vmem>>, vector<1x16xf32>,
      %get3A_213 = vector.shape_cast %get3A_212 : vector<1x16xf32> to vector<16xf32>
      %mul3A_214 = arith.mulf %get3A_213, %get3A_114 : vector<16xf32>
      %add3A_215 = arith.addf %add3A_207, %mul3A_214 : vector<16xf32>
      %add3A_216 = arith.constant 3 : i32
      %add3A_217 = arith.addi %mul3A_94, %add3A_216 : i32
      %get3A_218 = arith.index_cast %add3A_217 : i32 to index
      %get3A_219 = arith.constant 32 : index
      %get3A_220 = tpu.vector_load %arg7[%get3A_218, %get3A_219] {strides = array<i32>} : memref<512x128xf32, #tpu.memory_space<vmem>>, vector<1x16xf32>,
      %get3A_221 = vector.shape_cast %get3A_220 : vector<1x16xf32> to vector<16xf32>
      %mul3A_222 = arith.mulf %get3A_221, %get3A_121 : vector<16xf32>
      %add3A_223 = arith.addf %add3A_215, %mul3A_222 : vector<16xf32>
      %swap3A_224 = arith.index_cast %scan3A_92 : i32 to index
      %swap3A_225 = arith.constant 32 : index
      %swap3A_226 = tpu.vector_load %arg9[%swap3A_224, %swap3A_225] {strides = array<i32>} : memref<128x128xf32, #tpu.memory_space<vmem>>, vector<1x16xf32>,
      %swap3A_227 = vector.shape_cast %swap3A_226 : vector<1x16xf32> to vector<16xf32>
      %swap3A_228 = vector.shape_cast %add3A_223 : vector<16xf32> to vector<1x16xf32>
      tpu.vector_store %arg9[%swap3A_224, %swap3A_225], %swap3A_228 {strides = array<i32>} : memref<128x128xf32, #tpu.memory_space<vmem>>, vector<1x16xf32>,
      %add3A_229 = arith.constant 0 : i32
      %add3A_230 = arith.addi %mul3A_94, %add3A_229 : i32
      %get3A_231 = arith.index_cast %add3A_230 : i32 to index
      %get3A_232 = arith.constant 48 : index
      %get3A_233 = tpu.vector_load %arg7[%get3A_231, %get3A_232] {strides = array<i32>} : memref<512x128xf32, #tpu.memory_space<vmem>>, vector<1x16xf32>,
      %get3A_234 = vector.shape_cast %get3A_233 : vector<1x16xf32> to vector<16xf32>
      %mul3A_235 = arith.mulf %get3A_234, %get3A_100 : vector<16xf32>
      %add3A_236 = arith.constant 1 : i32
      %add3A_237 = arith.addi %mul3A_94, %add3A_236 : i32
      %get3A_238 = arith.index_cast %add3A_237 : i32 to index
      %get3A_239 = arith.constant 48 : index
      %get3A_240 = tpu.vector_load %arg7[%get3A_238, %get3A_239] {strides = array<i32>} : memref<512x128xf32, #tpu.memory_space<vmem>>, vector<1x16xf32>,
      %get3A_241 = vector.shape_cast %get3A_240 : vector<1x16xf32> to vector<16xf32>
      %mul3A_242 = arith.mulf %get3A_241, %get3A_107 : vector<16xf32>
      %add3A_243 = arith.addf %mul3A_235, %mul3A_242 : vector<16xf32>
      %add3A_244 = arith.constant 2 : i32
      %add3A_245 = arith.addi %mul3A_94, %add3A_244 : i32
      %get3A_246 = arith.index_cast %add3A_245 : i32 to index
      %get3A_247 = arith.constant 48 : index
      %get3A_248 = tpu.vector_load %arg7[%get3A_246, %get3A_247] {strides = array<i32>} : memref<512x128xf32, #tpu.memory_space<vmem>>, vector<1x16xf32>,
      %get3A_249 = vector.shape_cast %get3A_248 : vector<1x16xf32> to vector<16xf32>
      %mul3A_250 = arith.mulf %get3A_249, %get3A_114 : vector<16xf32>
      %add3A_251 = arith.addf %add3A_243, %mul3A_250 : vector<16xf32>
      %add3A_252 = arith.constant 3 : i32
      %add3A_253 = arith.addi %mul3A_94, %add3A_252 : i32
      %get3A_254 = arith.index_cast %add3A_253 : i32 to index
      %get3A_255 = arith.constant 48 : index
      %get3A_256 = tpu.vector_load %arg7[%get3A_254, %get3A_255] {strides = array<i32>} : memref<512x128xf32, #tpu.memory_space<vmem>>, vector<1x16xf32>,
      %get3A_257 = vector.shape_cast %get3A_256 : vector<1x16xf32> to vector<16xf32>
      %mul3A_258 = arith.mulf %get3A_257, %get3A_121 : vector<16xf32>
      %add3A_259 = arith.addf %add3A_251, %mul3A_258 : vector<16xf32>
      %swap3A_260 = arith.index_cast %scan3A_92 : i32 to index
      %swap3A_261 = arith.constant 48 : index
      %swap3A_262 = tpu.vector_load %arg9[%swap3A_260, %swap3A_261] {strides = array<i32>} : memref<128x128xf32, #tpu.memory_space<vmem>>, vector<1x16xf32>,
      %swap3A_263 = vector.shape_cast %swap3A_262 : vector<1x16xf32> to vector<16xf32>
      %swap3A_264 = vector.shape_cast %add3A_259 : vector<16xf32> to vector<1x16xf32>
      tpu.vector_store %arg9[%swap3A_260, %swap3A_261], %swap3A_264 {strides = array<i32>} : memref<128x128xf32, #tpu.memory_space<vmem>>, vector<1x16xf32>,
      %add3A_265 = arith.constant 0 : i32
      %add3A_266 = arith.addi %mul3A_94, %add3A_265 : i32
      %get3A_267 = arith.index_cast %add3A_266 : i32 to index
      %get3A_268 = arith.constant 64 : index
      %get3A_269 = tpu.vector_load %arg7[%get3A_267, %get3A_268] {strides = array<i32>} : memref<512x128xf32, #tpu.memory_space<vmem>>, vector<1x16xf32>,
      %get3A_270 = vector.shape_cast %get3A_269 : vector<1x16xf32> to vector<16xf32>
      %mul3A_271 = arith.mulf %get3A_270, %get3A_100 : vector<16xf32>
      %add3A_272 = arith.constant 1 : i32
      %add3A_273 = arith.addi %mul3A_94, %add3A_272 : i32
      %get3A_274 = arith.index_cast %add3A_273 : i32 to index
      %get3A_275 = arith.constant 64 : index
      %get3A_276 = tpu.vector_load %arg7[%get3A_274, %get3A_275] {strides = array<i32>} : memref<512x128xf32, #tpu.memory_space<vmem>>, vector<1x16xf32>,
      %get3A_277 = vector.shape_cast %get3A_276 : vector<1x16xf32> to vector<16xf32>
      %mul3A_278 = arith.mulf %get3A_277, %get3A_107 : vector<16xf32>
      %add3A_279 = arith.addf %mul3A_271, %mul3A_278 : vector<16xf32>
      %add3A_280 = arith.constant 2 : i32
      %add3A_281 = arith.addi %mul3A_94, %add3A_280 : i32
      %get3A_282 = arith.index_cast %add3A_281 : i32 to index
      %get3A_283 = arith.constant 64 : index
      %get3A_284 = tpu.vector_load %arg7[%get3A_282, %get3A_283] {strides = array<i32>} : memref<512x128xf32, #tpu.memory_space<vmem>>, vector<1x16xf32>,
      %get3A_285 = vector.shape_cast %get3A_284 : vector<1x16xf32> to vector<16xf32>
      %mul3A_286 = arith.mulf %get3A_285, %get3A_114 : vector<16xf32>
      %add3A_287 = arith.addf %add3A_279, %mul3A_286 : vector<16xf32>
      %add3A_288 = arith.constant 3 : i32
      %add3A_289 = arith.addi %mul3A_94, %add3A_288 : i32
      %get3A_290 = arith.index_cast %add3A_289 : i32 to index
      %get3A_291 = arith.constant 64 : index
      %get3A_292 = tpu.vector_load %arg7[%get3A_290, %get3A_291] {strides = array<i32>} : memref<512x128xf32, #tpu.memory_space<vmem>>, vector<1x16xf32>,
      %get3A_293 = vector.shape_cast %get3A_292 : vector<1x16xf32> to vector<16xf32>
      %mul3A_294 = arith.mulf %get3A_293, %get3A_121 : vector<16xf32>
      %add3A_295 = arith.addf %add3A_287, %mul3A_294 : vector<16xf32>
      %swap3A_296 = arith.index_cast %scan3A_92 : i32 to index
      %swap3A_297 = arith.constant 64 : index
      %swap3A_298 = tpu.vector_load %arg9[%swap3A_296, %swap3A_297] {strides = array<i32>} : memref<128x128xf32, #tpu.memory_space<vmem>>, vector<1x16xf32>,
      %swap3A_299 = vector.shape_cast %swap3A_298 : vector<1x16xf32> to vector<16xf32>
      %swap3A_300 = vector.shape_cast %add3A_295 : vector<16xf32> to vector<1x16xf32>
      tpu.vector_store %arg9[%swap3A_296, %swap3A_297], %swap3A_300 {strides = array<i32>} : memref<128x128xf32, #tpu.memory_space<vmem>>, vector<1x16xf32>,
      %add3A_301 = arith.constant 0 : i32
      %add3A_302 = arith.addi %mul3A_94, %add3A_301 : i32
      %get3A_303 = arith.index_cast %add3A_302 : i32 to index
      %get3A_304 = arith.constant 80 : index
      %get3A_305 = tpu.vector_load %arg7[%get3A_303, %get3A_304] {strides = array<i32>} : memref<512x128xf32, #tpu.memory_space<vmem>>, vector<1x16xf32>,
      %get3A_306 = vector.shape_cast %get3A_305 : vector<1x16xf32> to vector<16xf32>
      %mul3A_307 = arith.mulf %get3A_306, %get3A_100 : vector<16xf32>
      %add3A_308 = arith.constant 1 : i32
      %add3A_309 = arith.addi %mul3A_94, %add3A_308 : i32
      %get3A_310 = arith.index_cast %add3A_309 : i32 to index
      %get3A_311 = arith.constant 80 : index
      %get3A_312 = tpu.vector_load %arg7[%get3A_310, %get3A_311] {strides = array<i32>} : memref<512x128xf32, #tpu.memory_space<vmem>>, vector<1x16xf32>,
      %get3A_313 = vector.shape_cast %get3A_312 : vector<1x16xf32> to vector<16xf32>
      %mul3A_314 = arith.mulf %get3A_313, %get3A_107 : vector<16xf32>
      %add3A_315 = arith.addf %mul3A_307, %mul3A_314 : vector<16xf32>
      %add3A_316 = arith.constant 2 : i32
      %add3A_317 = arith.addi %mul3A_94, %add3A_316 : i32
      %get3A_318 = arith.index_cast %add3A_317 : i32 to index
      %get3A_319 = arith.constant 80 : index
      %get3A_320 = tpu.vector_load %arg7[%get3A_318, %get3A_319] {strides = array<i32>} : memref<512x128xf32, #tpu.memory_space<vmem>>, vector<1x16xf32>,
      %get3A_321 = vector.shape_cast %get3A_320 : vector<1x16xf32> to vector<16xf32>
      %mul3A_322 = arith.mulf %get3A_321, %get3A_114 : vector<16xf32>
      %add3A_323 = arith.addf %add3A_315, %mul3A_322 : vector<16xf32>
      %add3A_324 = arith.constant 3 : i32
      %add3A_325 = arith.addi %mul3A_94, %add3A_324 : i32
      %get3A_326 = arith.index_cast %add3A_325 : i32 to index
      %get3A_327 = arith.constant 80 : index
      %get3A_328 = tpu.vector_load %arg7[%get3A_326, %get3A_327] {strides = array<i32>} : memref<512x128xf32, #tpu.memory_space<vmem>>, vector<1x16xf32>,
      %get3A_329 = vector.shape_cast %get3A_328 : vector<1x16xf32> to vector<16xf32>
      %mul3A_330 = arith.mulf %get3A_329, %get3A_121 : vector<16xf32>
      %add3A_331 = arith.addf %add3A_323, %mul3A_330 : vector<16xf32>
      %swap3A_332 = arith.index_cast %scan3A_92 : i32 to index
      %swap3A_333 = arith.constant 80 : index
      %swap3A_334 = tpu.vector_load %arg9[%swap3A_332, %swap3A_333] {strides = array<i32>} : memref<128x128xf32, #tpu.memory_space<vmem>>, vector<1x16xf32>,
      %swap3A_335 = vector.shape_cast %swap3A_334 : vector<1x16xf32> to vector<16xf32>
      %swap3A_336 = vector.shape_cast %add3A_331 : vector<16xf32> to vector<1x16xf32>
      tpu.vector_store %arg9[%swap3A_332, %swap3A_333], %swap3A_336 {strides = array<i32>} : memref<128x128xf32, #tpu.memory_space<vmem>>, vector<1x16xf32>,
      %add3A_337 = arith.constant 0 : i32
      %add3A_338 = arith.addi %mul3A_94, %add3A_337 : i32
      %get3A_339 = arith.index_cast %add3A_338 : i32 to index
      %get3A_340 = arith.constant 96 : index
      %get3A_341 = tpu.vector_load %arg7[%get3A_339, %get3A_340] {strides = array<i32>} : memref<512x128xf32, #tpu.memory_space<vmem>>, vector<1x16xf32>,
      %get3A_342 = vector.shape_cast %get3A_341 : vector<1x16xf32> to vector<16xf32>
      %mul3A_343 = arith.mulf %get3A_342, %get3A_100 : vector<16xf32>
      %add3A_344 = arith.constant 1 : i32
      %add3A_345 = arith.addi %mul3A_94, %add3A_344 : i32
      %get3A_346 = arith.index_cast %add3A_345 : i32 to index
      %get3A_347 = arith.constant 96 : index
      %get3A_348 = tpu.vector_load %arg7[%get3A_346, %get3A_347] {strides = array<i32>} : memref<512x128xf32, #tpu.memory_space<vmem>>, vector<1x16xf32>,
      %get3A_349 = vector.shape_cast %get3A_348 : vector<1x16xf32> to vector<16xf32>
      %mul3A_350 = arith.mulf %get3A_349, %get3A_107 : vector<16xf32>
      %add3A_351 = arith.addf %mul3A_343, %mul3A_350 : vector<16xf32>
      %add3A_352 = arith.constant 2 : i32
      %add3A_353 = arith.addi %mul3A_94, %add3A_352 : i32
      %get3A_354 = arith.index_cast %add3A_353 : i32 to index
      %get3A_355 = arith.constant 96 : index
      %get3A_356 = tpu.vector_load %arg7[%get3A_354, %get3A_355] {strides = array<i32>} : memref<512x128xf32, #tpu.memory_space<vmem>>, vector<1x16xf32>,
      %get3A_357 = vector.shape_cast %get3A_356 : vector<1x16xf32> to vector<16xf32>
      %mul3A_358 = arith.mulf %get3A_357, %get3A_114 : vector<16xf32>
      %add3A_359 = arith.addf %add3A_351, %mul3A_358 : vector<16xf32>
      %add3A_360 = arith.constant 3 : i32
      %add3A_361 = arith.addi %mul3A_94, %add3A_360 : i32
      %get3A_362 = arith.index_cast %add3A_361 : i32 to index
      %get3A_363 = arith.constant 96 : index
      %get3A_364 = tpu.vector_load %arg7[%get3A_362, %get3A_363] {strides = array<i32>} : memref<512x128xf32, #tpu.memory_space<vmem>>, vector<1x16xf32>,
      %get3A_365 = vector.shape_cast %get3A_364 : vector<1x16xf32> to vector<16xf32>
      %mul3A_366 = arith.mulf %get3A_365, %get3A_121 : vector<16xf32>
      %add3A_367 = arith.addf %add3A_359, %mul3A_366 : vector<16xf32>
      %swap3A_368 = arith.index_cast %scan3A_92 : i32 to index
      %swap3A_369 = arith.constant 96 : index
      %swap3A_370 = tpu.vector_load %arg9[%swap3A_368, %swap3A_369] {strides = array<i32>} : memref<128x128xf32, #tpu.memory_space<vmem>>, vector<1x16xf32>,
      %swap3A_371 = vector.shape_cast %swap3A_370 : vector<1x16xf32> to vector<16xf32>
      %swap3A_372 = vector.shape_cast %add3A_367 : vector<16xf32> to vector<1x16xf32>
      tpu.vector_store %arg9[%swap3A_368, %swap3A_369], %swap3A_372 {strides = array<i32>} : memref<128x128xf32, #tpu.memory_space<vmem>>, vector<1x16xf32>,
      %add3A_373 = arith.constant 0 : i32
      %add3A_374 = arith.addi %mul3A_94, %add3A_373 : i32
      %get3A_375 = arith.index_cast %add3A_374 : i32 to index
      %get3A_376 = arith.constant 112 : index
      %get3A_377 = tpu.vector_load %arg7[%get3A_375, %get3A_376] {strides = array<i32>} : memref<512x128xf32, #tpu.memory_space<vmem>>, vector<1x16xf32>,
      %get3A_378 = vector.shape_cast %get3A_377 : vector<1x16xf32> to vector<16xf32>
      %mul3A_379 = arith.mulf %get3A_378, %get3A_100 : vector<16xf32>
      %add3A_380 = arith.constant 1 : i32
      %add3A_381 = arith.addi %mul3A_94, %add3A_380 : i32
      %get3A_382 = arith.index_cast %add3A_381 : i32 to index
      %get3A_383 = arith.constant 112 : index
      %get3A_384 = tpu.vector_load %arg7[%get3A_382, %get3A_383] {strides = array<i32>} : memref<512x128xf32, #tpu.memory_space<vmem>>, vector<1x16xf32>,
      %get3A_385 = vector.shape_cast %get3A_384 : vector<1x16xf32> to vector<16xf32>
      %mul3A_386 = arith.mulf %get3A_385, %get3A_107 : vector<16xf32>
      %add3A_387 = arith.addf %mul3A_379, %mul3A_386 : vector<16xf32>
      %add3A_388 = arith.constant 2 : i32
      %add3A_389 = arith.addi %mul3A_94, %add3A_388 : i32
      %get3A_390 = arith.index_cast %add3A_389 : i32 to index
      %get3A_391 = arith.constant 112 : index
      %get3A_392 = tpu.vector_load %arg7[%get3A_390, %get3A_391] {strides = array<i32>} : memref<512x128xf32, #tpu.memory_space<vmem>>, vector<1x16xf32>,
      %get3A_393 = vector.shape_cast %get3A_392 : vector<1x16xf32> to vector<16xf32>
      %mul3A_394 = arith.mulf %get3A_393, %get3A_114 : vector<16xf32>
      %add3A_395 = arith.addf %add3A_387, %mul3A_394 : vector<16xf32>
      %add3A_396 = arith.constant 3 : i32
      %add3A_397 = arith.addi %mul3A_94, %add3A_396 : i32
      %get3A_398 = arith.index_cast %add3A_397 : i32 to index
      %get3A_399 = arith.constant 112 : index
      %get3A_400 = tpu.vector_load %arg7[%get3A_398, %get3A_399] {strides = array<i32>} : memref<512x128xf32, #tpu.memory_space<vmem>>, vector<1x16xf32>,
      %get3A_401 = vector.shape_cast %get3A_400 : vector<1x16xf32> to vector<16xf32>
      %mul3A_402 = arith.mulf %get3A_401, %get3A_121 : vector<16xf32>
      %add3A_403 = arith.addf %add3A_395, %mul3A_402 : vector<16xf32>
      %swap3A_404 = arith.index_cast %scan3A_92 : i32 to index
      %swap3A_405 = arith.constant 112 : index
      %swap3A_406 = tpu.vector_load %arg9[%swap3A_404, %swap3A_405] {strides = array<i32>} : memref<128x128xf32, #tpu.memory_space<vmem>>, vector<1x16xf32>,
      %swap3A_407 = vector.shape_cast %swap3A_406 : vector<1x16xf32> to vector<16xf32>
      %swap3A_408 = vector.shape_cast %add3A_403 : vector<16xf32> to vector<1x16xf32>
      tpu.vector_store %arg9[%swap3A_404, %swap3A_405], %swap3A_408 {strides = array<i32>} : memref<128x128xf32, #tpu.memory_space<vmem>>, vector<1x16xf32>,
    }
    %scan3A_89 = arith.constant 32 : i32
    %mul3A_90 = arith.constant 128 : i32
    %mul3A_91 = arith.muli %add3A, %mul3A_90 : i32
    "tpu.region"() ({
      %run_scoped3A = tpu.sem_alloc : memref<!tpu.dma_semaphore, #tpu.memory_space<semaphore_mem>>
      %dma_start3A_92 = arith.constant 0 : i32
      %dma_start3A_93 = tpu.memref_slice %arg5[%mul3A_91, %dma_start3A_92] : memref<4096x128xf32, #tpu.memory_space<hbm>> -> memref<128x128xf32, #tpu.memory_space<hbm>>
      %dma_start3A_94 = arith.constant 0 : i32
      %dma_start3A_95 = tpu.memref_slice %arg5[%mul3A_91, %dma_start3A_94] : memref<4096x128xf32, #tpu.memory_space<hbm>> -> memref<128x128xf32, #tpu.memory_space<hbm>>
      tpu.enqueue_dma source(%arg9 : memref<128x128xf32, #tpu.memory_space<vmem>>) target(%dma_start3A_95 : memref<128x128xf32, #tpu.memory_space<hbm>>) target_semaphore(%run_scoped3A : memref<!tpu.dma_semaphore, #tpu.memory_space<semaphore_mem>>)
      %dma_wait3A_96 = arith.constant 0 : i32
      %dma_wait3A_97 = tpu.memref_slice %arg5[%mul3A_91, %dma_wait3A_96] : memref<4096x128xf32, #tpu.memory_space<hbm>> -> memref<128x128xf32, #tpu.memory_space<hbm>>
      %dma_wait3A_98 = arith.constant 0 : i32
      %dma_wait3A_99 = tpu.memref_slice %arg5[%mul3A_91, %dma_wait3A_98] : memref<4096x128xf32, #tpu.memory_space<hbm>> -> memref<128x128xf32, #tpu.memory_space<hbm>>
      tpu.wait_dma2 semaphore(%run_scoped3A : memref<!tpu.dma_semaphore, #tpu.memory_space<semaphore_mem>>) src(%arg9 : memref<128x128xf32, #tpu.memory_space<vmem>>) dst(%dma_wait3A_99 : memref<128x128xf32, #tpu.memory_space<hbm>>)
      tpu.yield
    }) : () -> ()
    return
  }
}

module attributes {stable_mosaic.version = 14 : i64} {
  func.func @_topk_body(%arg0: i32, %arg1: i32, %arg2: memref<1x512x8xf32, #tpu.memory_space<vmem>>, %arg3: memref<1x8x2048xf32, #tpu.memory_space<vmem>>, %arg4: memref<1x512x128xf32, #tpu.memory_space<vmem>>, %arg5: memref<128x128xf32, #tpu.memory_space<vmem>>, %arg6: memref<1x128xf32, #tpu.memory_space<vmem>>, %arg7: memref<1x512x4xi32, #tpu.memory_space<vmem>>, %arg8: memref<1x512x64xf32, #tpu.memory_space<vmem>>, %arg9: memref<1x512x128xf32, #tpu.memory_space<vmem>>) attributes {dimension_semantics = [#tpu.dimension_semantics<arbitrary>, #tpu.dimension_semantics<arbitrary>], iteration_bounds = array<i64: 2, 4>, scalar_prefetch = 0 : i64, scratch_operands = 0 : i64, tpu.core_type = #tpu.core_type<tc>, window_params = [{transform_indices = @transform_0, window_bounds = array<i64: 1, 512, 8>}, {transform_indices = @transform_1, window_bounds = array<i64: 1, 8, 2048>}, {transform_indices = @transform_2, window_bounds = array<i64: 1, 512, 128>}, {pipeline_mode = #tpu.pipeline_mode<synchronous>, transform_indices = @transform_3, window_bounds = array<i64: 128, 128>}, {pipeline_mode = #tpu.pipeline_mode<synchronous>, transform_indices = @transform_4, window_bounds = array<i64: 1, 128>}, {transform_indices = @transform_5, window_bounds = array<i64: 1, 512, 4>}, {transform_indices = @transform_6, window_bounds = array<i64: 1, 512, 64>}, {transform_indices = @transform_7, window_bounds = array<i64: 1, 512, 128>}]} {
    %get3A = arith.constant 0 : index
    %get3A_0 = arith.constant 0 : index
    %get3A_1 = arith.constant 0 : index
    %get3A_2 = vector.load %arg2[%get3A, %get3A_0, %get3A_1] : memref<1x512x8xf32, #tpu.memory_space<vmem>>, vector<1x512x8xf32>
    %get3A_3 = vector.shape_cast %get3A_2 : vector<1x512x8xf32> to vector<512x8xf32>
    %get3A_4 = arith.constant 0 : index
    %get3A_5 = arith.constant 0 : index
    %get3A_6 = arith.constant 0 : index
    %get3A_7 = vector.load %arg3[%get3A_4, %get3A_5, %get3A_6] : memref<1x8x2048xf32, #tpu.memory_space<vmem>>, vector<1x8x2048xf32>
    %get3A_8 = vector.shape_cast %get3A_7 : vector<1x8x2048xf32> to vector<8x2048xf32>
    %get3A_9 = arith.constant 0 : index
    %get3A_10 = arith.constant 0 : index
    %get3A_11 = arith.constant 0 : index
    %get3A_12 = vector.load %arg4[%get3A_9, %get3A_10, %get3A_11] : memref<1x512x128xf32, #tpu.memory_space<vmem>>, vector<1x512x128xf32>
    %get3A_13 = vector.shape_cast %get3A_12 : vector<1x512x128xf32> to vector<512x128xf32>
    %get3A_14 = arith.constant 0 : index
    %get3A_15 = arith.constant 0 : index
    %get3A_16 = vector.load %arg5[%get3A_14, %get3A_15] : memref<128x128xf32, #tpu.memory_space<vmem>>, vector<128x128xf32>
    %dot_general3A = arith.constant dense<0.000000e+00> : vector<512x128xf32>
    %dot_general3A_17 = tpu.matmul %get3A_13, %get3A_16, %dot_general3A {dimension_numbers = #tpu.dot_dimension_numbers<[1], [0], [0], [1], [0, 0, 1, 1], [], []>, transpose_lhs_hint = false} : vector<512x128xf32>, vector<128x128xf32>, vector<512x128xf32> -> vector<512x128xf32>
    %get3A_18 = arith.constant 0 : index
    %get3A_19 = arith.constant 0 : index
    %get3A_20 = vector.load %arg6[%get3A_18, %get3A_19] : memref<1x128xf32, #tpu.memory_space<vmem>>, vector<1x128xf32>
    %add3A = vector.broadcast %get3A_20 : vector<1x128xf32> to vector<512x128xf32>
    %add3A_21 = arith.addf %dot_general3A_17, %add3A : vector<512x128xf32>
    %swap3A = arith.constant 0 : index
    %swap3A_22 = arith.constant 0 : index
    %swap3A_23 = arith.constant 0 : index
    %swap3A_24 = vector.load %arg9[%swap3A, %swap3A_22, %swap3A_23] : memref<1x512x128xf32, #tpu.memory_space<vmem>>, vector<1x512x128xf32>
    %swap3A_25 = vector.shape_cast %swap3A_24 : vector<1x512x128xf32> to vector<512x128xf32>
    %swap3A_26 = vector.shape_cast %add3A_21 : vector<512x128xf32> to vector<1x512x128xf32>
    tpu.vector_store %arg9[%swap3A, %swap3A_22, %swap3A_23], %swap3A_26 {strides = array<i32>} : memref<1x512x128xf32, #tpu.memory_space<vmem>>, vector<1x512x128xf32>,
    %slice3A = vector.extract_strided_slice %get3A_3 {offsets = [0, 0], sizes = [512, 1], strides = [1, 1]} : vector<512x8xf32> to vector<512x1xf32>
    %slice3A_27 = vector.extract_strided_slice %get3A_8 {offsets = [0, 0], sizes = [1, 2048], strides = [1, 1]} : vector<8x2048xf32> to vector<1x2048xf32>
    %sub3A = vector.broadcast %slice3A : vector<512x1xf32> to vector<512x2048xf32>
    %sub3A_28 = vector.broadcast %slice3A_27 : vector<1x2048xf32> to vector<512x2048xf32>
    %sub3A_29 = arith.subf %sub3A, %sub3A_28 : vector<512x2048xf32>
    %slice3A_30 = vector.extract_strided_slice %get3A_3 {offsets = [0, 1], sizes = [512, 1], strides = [1, 1]} : vector<512x8xf32> to vector<512x1xf32>
    %slice3A_31 = vector.extract_strided_slice %get3A_8 {offsets = [1, 0], sizes = [1, 2048], strides = [1, 1]} : vector<8x2048xf32> to vector<1x2048xf32>
    %sub3A_32 = vector.broadcast %slice3A_30 : vector<512x1xf32> to vector<512x2048xf32>
    %sub3A_33 = vector.broadcast %slice3A_31 : vector<1x2048xf32> to vector<512x2048xf32>
    %sub3A_34 = arith.subf %sub3A_32, %sub3A_33 : vector<512x2048xf32>
    %slice3A_35 = vector.extract_strided_slice %get3A_3 {offsets = [0, 2], sizes = [512, 1], strides = [1, 1]} : vector<512x8xf32> to vector<512x1xf32>
    %slice3A_36 = vector.extract_strided_slice %get3A_8 {offsets = [2, 0], sizes = [1, 2048], strides = [1, 1]} : vector<8x2048xf32> to vector<1x2048xf32>
    %sub3A_37 = vector.broadcast %slice3A_35 : vector<512x1xf32> to vector<512x2048xf32>
    %sub3A_38 = vector.broadcast %slice3A_36 : vector<1x2048xf32> to vector<512x2048xf32>
    %sub3A_39 = arith.subf %sub3A_37, %sub3A_38 : vector<512x2048xf32>
    %mul3A = arith.mulf %sub3A_29, %sub3A_29 : vector<512x2048xf32>
    %mul3A_40 = arith.mulf %sub3A_34, %sub3A_34 : vector<512x2048xf32>
    %add3A_41 = arith.addf %mul3A, %mul3A_40 : vector<512x2048xf32>
    %mul3A_42 = arith.mulf %sub3A_39, %sub3A_39 : vector<512x2048xf32>
    %add3A_43 = arith.addf %add3A_41, %mul3A_42 : vector<512x2048xf32>
    %add3A_44 = arith.constant 9.99999993E-9 : f32
    %add3A_45 = vector.broadcast %add3A_44 : f32 to vector<512x2048xf32>
    %add3A_46 = arith.addf %add3A_43, %add3A_45 : vector<512x2048xf32>
    %sqrt3A = math.sqrt %add3A_46 : vector<512x2048xf32>
    %mul3A_47 = arith.mulf %sqrt3A, %sqrt3A : vector<512x2048xf32>
    %neg3A = arith.constant 0.000000e+00 : f32
    %neg3A_48 = vector.broadcast %neg3A : f32 to vector<512x2048xf32>
    %neg3A_49 = arith.subf %neg3A_48, %mul3A_47 : vector<512x2048xf32>
    %mul3A_50 = arith.constant 5.000000e-01 : f32
    %mul3A_51 = vector.broadcast %mul3A_50 : f32 to vector<512x2048xf32>
    %mul3A_52 = arith.mulf %neg3A_49, %mul3A_51 : vector<512x2048xf32>
    %exp3A = math.exp %mul3A_52 : vector<512x2048xf32>
    %iota3A = tpu.iota {dimensions = array<i32: 1>} : vector<512x2048xi32>
    %reduce_max3A = arith.constant dense<0xFF800000> : vector<512xf32>
    %reduce_max3A_53 = vector.multi_reduction <maximumf>, %exp3A, %reduce_max3A [1] : vector<512x2048xf32> to vector<512xf32>
    %broadcast_in_dim3A = vector.shape_cast %reduce_max3A_53 : vector<512xf32> to vector<512x1xf32>
    %eq3A = vector.broadcast %broadcast_in_dim3A : vector<512x1xf32> to vector<512x2048xf32>
    %eq3A_54 = arith.cmpf oeq, %exp3A, %eq3A : vector<512x2048xf32>
    %jit3A = arith.constant 2048 : i32
    %broadcast_in_dim3A_55 = vector.broadcast %jit3A : i32 to vector<512x2048xi32>
    %select_n3A = arith.select %eq3A_54, %iota3A, %broadcast_in_dim3A_55 : vector<512x2048xi1>, vector<512x2048xi32>
    %reduce_min3A = arith.constant dense<2147483647> : vector<512xi32>
    %reduce_min3A_56 = vector.multi_reduction <minsi>, %select_n3A, %reduce_min3A [1] : vector<512x2048xi32> to vector<512xi32>
    %broadcast_in_dim3A_57 = vector.shape_cast %reduce_min3A_56 : vector<512xi32> to vector<512x1xi32>
    %eq3A_58 = vector.broadcast %broadcast_in_dim3A_57 : vector<512x1xi32> to vector<512x2048xi32>
    %eq3A_59 = arith.cmpi eq, %iota3A, %eq3A_58 : vector<512x2048xi32>
    %jit3A_60 = arith.constant -1.000000e+00 : f32
    %broadcast_in_dim3A_61 = vector.broadcast %jit3A_60 : f32 to vector<512x2048xf32>
    %select_n3A_62 = arith.select %eq3A_59, %broadcast_in_dim3A_61, %exp3A : vector<512x2048xi1>, vector<512x2048xf32>
    %reduce_max3A_63 = arith.constant dense<0xFF800000> : vector<512xf32>
    %reduce_max3A_64 = vector.multi_reduction <maximumf>, %select_n3A_62, %reduce_max3A_63 [1] : vector<512x2048xf32> to vector<512xf32>
    %broadcast_in_dim3A_65 = vector.shape_cast %reduce_max3A_64 : vector<512xf32> to vector<512x1xf32>
    %eq3A_66 = vector.broadcast %broadcast_in_dim3A_65 : vector<512x1xf32> to vector<512x2048xf32>
    %eq3A_67 = arith.cmpf oeq, %select_n3A_62, %eq3A_66 : vector<512x2048xf32>
    %jit3A_68 = arith.constant 2048 : i32
    %broadcast_in_dim3A_69 = vector.broadcast %jit3A_68 : i32 to vector<512x2048xi32>
    %select_n3A_70 = arith.select %eq3A_67, %iota3A, %broadcast_in_dim3A_69 : vector<512x2048xi1>, vector<512x2048xi32>
    %reduce_min3A_71 = arith.constant dense<2147483647> : vector<512xi32>
    %reduce_min3A_72 = vector.multi_reduction <minsi>, %select_n3A_70, %reduce_min3A_71 [1] : vector<512x2048xi32> to vector<512xi32>
    %broadcast_in_dim3A_73 = vector.shape_cast %reduce_min3A_72 : vector<512xi32> to vector<512x1xi32>
    %eq3A_74 = vector.broadcast %broadcast_in_dim3A_73 : vector<512x1xi32> to vector<512x2048xi32>
    %eq3A_75 = arith.cmpi eq, %iota3A, %eq3A_74 : vector<512x2048xi32>
    %jit3A_76 = arith.constant -1.000000e+00 : f32
    %broadcast_in_dim3A_77 = vector.broadcast %jit3A_76 : f32 to vector<512x2048xf32>
    %select_n3A_78 = arith.select %eq3A_75, %broadcast_in_dim3A_77, %select_n3A_62 : vector<512x2048xi1>, vector<512x2048xf32>
    %reduce_max3A_79 = arith.constant dense<0xFF800000> : vector<512xf32>
    %reduce_max3A_80 = vector.multi_reduction <maximumf>, %select_n3A_78, %reduce_max3A_79 [1] : vector<512x2048xf32> to vector<512xf32>
    %broadcast_in_dim3A_81 = vector.shape_cast %reduce_max3A_80 : vector<512xf32> to vector<512x1xf32>
    %eq3A_82 = vector.broadcast %broadcast_in_dim3A_81 : vector<512x1xf32> to vector<512x2048xf32>
    %eq3A_83 = arith.cmpf oeq, %select_n3A_78, %eq3A_82 : vector<512x2048xf32>
    %jit3A_84 = arith.constant 2048 : i32
    %broadcast_in_dim3A_85 = vector.broadcast %jit3A_84 : i32 to vector<512x2048xi32>
    %select_n3A_86 = arith.select %eq3A_83, %iota3A, %broadcast_in_dim3A_85 : vector<512x2048xi1>, vector<512x2048xi32>
    %reduce_min3A_87 = arith.constant dense<2147483647> : vector<512xi32>
    %reduce_min3A_88 = vector.multi_reduction <minsi>, %select_n3A_86, %reduce_min3A_87 [1] : vector<512x2048xi32> to vector<512xi32>
    %broadcast_in_dim3A_89 = vector.shape_cast %reduce_min3A_88 : vector<512xi32> to vector<512x1xi32>
    %eq3A_90 = vector.broadcast %broadcast_in_dim3A_89 : vector<512x1xi32> to vector<512x2048xi32>
    %eq3A_91 = arith.cmpi eq, %iota3A, %eq3A_90 : vector<512x2048xi32>
    %jit3A_92 = arith.constant -1.000000e+00 : f32
    %broadcast_in_dim3A_93 = vector.broadcast %jit3A_92 : f32 to vector<512x2048xf32>
    %select_n3A_94 = arith.select %eq3A_91, %broadcast_in_dim3A_93, %select_n3A_78 : vector<512x2048xi1>, vector<512x2048xf32>
    %reduce_max3A_95 = arith.constant dense<0xFF800000> : vector<512xf32>
    %reduce_max3A_96 = vector.multi_reduction <maximumf>, %select_n3A_94, %reduce_max3A_95 [1] : vector<512x2048xf32> to vector<512xf32>
    %broadcast_in_dim3A_97 = vector.shape_cast %reduce_max3A_96 : vector<512xf32> to vector<512x1xf32>
    %eq3A_98 = vector.broadcast %broadcast_in_dim3A_97 : vector<512x1xf32> to vector<512x2048xf32>
    %eq3A_99 = arith.cmpf oeq, %select_n3A_94, %eq3A_98 : vector<512x2048xf32>
    %jit3A_100 = arith.constant 2048 : i32
    %broadcast_in_dim3A_101 = vector.broadcast %jit3A_100 : i32 to vector<512x2048xi32>
    %select_n3A_102 = arith.select %eq3A_99, %iota3A, %broadcast_in_dim3A_101 : vector<512x2048xi1>, vector<512x2048xi32>
    %reduce_min3A_103 = arith.constant dense<2147483647> : vector<512xi32>
    %reduce_min3A_104 = vector.multi_reduction <minsi>, %select_n3A_102, %reduce_min3A_103 [1] : vector<512x2048xi32> to vector<512xi32>
    %broadcast_in_dim3A_105 = vector.shape_cast %reduce_min3A_104 : vector<512xi32> to vector<512x1xi32>
    %add3A_106 = arith.addf %broadcast_in_dim3A, %broadcast_in_dim3A_65 : vector<512x1xf32>
    %add3A_107 = arith.addf %add3A_106, %broadcast_in_dim3A_81 : vector<512x1xf32>
    %add3A_108 = arith.addf %add3A_107, %broadcast_in_dim3A_97 : vector<512x1xf32>
    %add3A_109 = arith.constant 9.99999993E-9 : f32
    %add3A_110 = vector.broadcast %add3A_109 : f32 to vector<512x1xf32>
    %add3A_111 = arith.addf %add3A_108, %add3A_110 : vector<512x1xf32>
    %mul3A_112 = arith.constant 2048 : i32
    %mul3A_113 = arith.muli %arg0, %mul3A_112 : i32
    %add3A_114 = vector.broadcast %mul3A_113 : i32 to vector<512x1xi32>
    %add3A_115 = arith.addi %broadcast_in_dim3A_57, %add3A_114 : vector<512x1xi32>
    %add3A_116 = vector.broadcast %mul3A_113 : i32 to vector<512x1xi32>
    %add3A_117 = arith.addi %broadcast_in_dim3A_73, %add3A_116 : vector<512x1xi32>
    %add3A_118 = vector.broadcast %mul3A_113 : i32 to vector<512x1xi32>
    %add3A_119 = arith.addi %broadcast_in_dim3A_89, %add3A_118 : vector<512x1xi32>
    %add3A_120 = vector.broadcast %mul3A_113 : i32 to vector<512x1xi32>
    %add3A_121 = arith.addi %broadcast_in_dim3A_105, %add3A_120 : vector<512x1xi32>
    %concatenate3A = tpu.concatenate %add3A_115, %add3A_117, %add3A_119, %add3A_121 in 1 : vector<512x1xi32>, vector<512x1xi32>, vector<512x1xi32>, vector<512x1xi32> -> vector<512x4xi32>
    %swap3A_122 = arith.constant 0 : index
    %swap3A_123 = arith.constant 0 : index
    %swap3A_124 = arith.constant 0 : index
    %swap3A_125 = vector.load %arg7[%swap3A_122, %swap3A_123, %swap3A_124] : memref<1x512x4xi32, #tpu.memory_space<vmem>>, vector<1x512x4xi32>
    %swap3A_126 = vector.shape_cast %swap3A_125 : vector<1x512x4xi32> to vector<512x4xi32>
    %swap3A_127 = vector.shape_cast %concatenate3A : vector<512x4xi32> to vector<1x512x4xi32>
    tpu.vector_store %arg7[%swap3A_122, %swap3A_123, %swap3A_124], %swap3A_127 {strides = array<i32>} : memref<1x512x4xi32, #tpu.memory_space<vmem>>, vector<1x512x4xi32>,
    %div3A = arith.divf %broadcast_in_dim3A, %add3A_111 : vector<512x1xf32>
    %broadcast_in_dim3A_128 = vector.shape_cast %div3A : vector<512x1xf32> to vector<512x1xf32>
    %broadcast_in_dim3A_129 = vector.broadcast %broadcast_in_dim3A_128 : vector<512x1xf32> to vector<512x16xf32>
    %div3A_130 = arith.divf %broadcast_in_dim3A_65, %add3A_111 : vector<512x1xf32>
    %broadcast_in_dim3A_131 = vector.shape_cast %div3A_130 : vector<512x1xf32> to vector<512x1xf32>
    %broadcast_in_dim3A_132 = vector.broadcast %broadcast_in_dim3A_131 : vector<512x1xf32> to vector<512x16xf32>
    %div3A_133 = arith.divf %broadcast_in_dim3A_81, %add3A_111 : vector<512x1xf32>
    %broadcast_in_dim3A_134 = vector.shape_cast %div3A_133 : vector<512x1xf32> to vector<512x1xf32>
    %broadcast_in_dim3A_135 = vector.broadcast %broadcast_in_dim3A_134 : vector<512x1xf32> to vector<512x16xf32>
    %div3A_136 = arith.divf %broadcast_in_dim3A_97, %add3A_111 : vector<512x1xf32>
    %broadcast_in_dim3A_137 = vector.shape_cast %div3A_136 : vector<512x1xf32> to vector<512x1xf32>
    %broadcast_in_dim3A_138 = vector.broadcast %broadcast_in_dim3A_137 : vector<512x1xf32> to vector<512x16xf32>
    %concatenate3A_139 = tpu.concatenate %broadcast_in_dim3A_129, %broadcast_in_dim3A_132, %broadcast_in_dim3A_135, %broadcast_in_dim3A_138 in 1 : vector<512x16xf32>, vector<512x16xf32>, vector<512x16xf32>, vector<512x16xf32> -> vector<512x64xf32>
    %swap3A_140 = arith.constant 0 : index
    %swap3A_141 = arith.constant 0 : index
    %swap3A_142 = arith.constant 0 : index
    %swap3A_143 = vector.load %arg8[%swap3A_140, %swap3A_141, %swap3A_142] : memref<1x512x64xf32, #tpu.memory_space<vmem>>, vector<1x512x64xf32>
    %swap3A_144 = vector.shape_cast %swap3A_143 : vector<1x512x64xf32> to vector<512x64xf32>
    %swap3A_145 = vector.shape_cast %concatenate3A_139 : vector<512x64xf32> to vector<1x512x64xf32>
    tpu.vector_store %arg8[%swap3A_140, %swap3A_141, %swap3A_142], %swap3A_145 {strides = array<i32>} : memref<1x512x64xf32, #tpu.memory_space<vmem>>, vector<1x512x64xf32>,
    return
  }
  func.func @transform_0(%arg0: i32, %arg1: i32) -> (i32, i32, i32) {
    %c0_i32 = arith.constant 0 : i32
    %c0_i32_0 = arith.constant 0 : i32
    return %arg0, %arg1, %c0_i32 : i32, i32, i32
  }
  func.func @transform_1(%arg0: i32, %arg1: i32) -> (i32, i32, i32) {
    %c0_i32 = arith.constant 0 : i32
    %c0_i32_0 = arith.constant 0 : i32
    %c0_i32_1 = arith.constant 0 : i32
    return %arg0, %c0_i32, %c0_i32_0 : i32, i32, i32
  }
  func.func @transform_2(%arg0: i32, %arg1: i32) -> (i32, i32, i32) {
    %c0_i32 = arith.constant 0 : i32
    %c0_i32_0 = arith.constant 0 : i32
    return %arg0, %arg1, %c0_i32 : i32, i32, i32
  }
  func.func @transform_3(%arg0: i32, %arg1: i32) -> (i32, i32) {
    %c0_i32 = arith.constant 0 : i32
    %c0_i32_0 = arith.constant 0 : i32
    %c0_i32_1 = arith.constant 0 : i32
    return %c0_i32, %c0_i32_0 : i32, i32
  }
  func.func @transform_4(%arg0: i32, %arg1: i32) -> (i32, i32) {
    %c0_i32 = arith.constant 0 : i32
    %c0_i32_0 = arith.constant 0 : i32
    %c0_i32_1 = arith.constant 0 : i32
    return %c0_i32, %c0_i32_0 : i32, i32
  }
  func.func @transform_5(%arg0: i32, %arg1: i32) -> (i32, i32, i32) {
    %c0_i32 = arith.constant 0 : i32
    %c0_i32_0 = arith.constant 0 : i32
    return %arg0, %arg1, %c0_i32 : i32, i32, i32
  }
  func.func @transform_6(%arg0: i32, %arg1: i32) -> (i32, i32, i32) {
    %c0_i32 = arith.constant 0 : i32
    %c0_i32_0 = arith.constant 0 : i32
    return %arg0, %arg1, %c0_i32 : i32, i32, i32
  }
  func.func @transform_7(%arg0: i32, %arg1: i32) -> (i32, i32, i32) {
    %c0_i32 = arith.constant 0 : i32
    %c0_i32_0 = arith.constant 0 : i32
    return %arg0, %arg1, %c0_i32 : i32, i32, i32
  }
}

</mosaic_0001>

<sc_bundles>
// kernel: kernel.4.cloned.1.call-start
scs
__scs_entry_jumppad:
0x0: {  	(pc) =	sbr.rel $0x88, $3  }
0x1: {  	(tag) =	ssettag $0x0;
	lr =	simm.s32 $0x1  }
0x2: {  	[smem:$0x3F9D] =	sst lr;
	_ =	strace $0xD0000000  }
0x3: {  	_ = 	snop  }
0x4: {  	_ = 	snop  }
0x5: {  	_ = 	snop  }
0x6: {  	_ = 	snop  }
0x7: {  	_ = 	snop  }
__scs_overlays_trampoline_lowered:
0x8: {  	[smem:$0x3FAC] =	sst s0  }
0x9: {  	[smem:$0x3FAD] =	sst s1  }
0xa: {  	[smem:$0x3FAE] =	sst s2  }
0xb: {  	[smem:$0x3FAF] =	sst s3  }
0xc: {  	[smem:$0x3FB0] =	sst s4  }
0xd: {  	[smem:$0x3FB1] =	sst s5  }
0xe: {  	[smem:$0x3FB2] =	sst s6  }
0xf: {  	[smem:$0x3FB3] =	sst s7  }
0x10: {  	[smem:$0x3FB4] =	sst s8  }
0x11: {  	[smem:$0x3FB5] =	sst s9;
	s0 =	simm.s32 @!p0 $0x0  }
0x12: {  	s1 =	sld [smem:$0x3F9B];
	s0 =	simm.s32 @p0 $0x1  }
0x13: {  	[smem:$0x3FB6] =	sst s0;
	s0 =	simm.s32 @!p1 $0x0  }
0x14: {  	s2 =	sld [smem:$0x3F9A];
	s0 =	simm.s32 @p1 $0x1  }
0x15: {  	[smem:$0x3FB7] =	sst s0;
	s0 =	simm.s32 @!p2 $0x0  }
0x16: {  	s3 =	sld [smem:$0x3FDB];
	s0 =	simm.s32 @p2 $0x1  }
0x17: {  	s4 =	simm.s32 $0x1BF5;
	[smem:$0x3FB9] =	sst s0  }
0x18: {  	s0 =	sld [smem:$0x3F9C];
	_ =	swait.ge [sflag:s4], $0x0  }
0x19: {  	s7 =	sld [smem:$0x3F9D]  }
0x1a: {  	s8 =	sadd.s32 $0xFFFFE003, lr  }
0x1b: {  	s9 =	sadd.s32 $0xFFFFFEF7, lr;
	s5 =	simm.s32 $0xFFFFFFFF;
	p2 =	slt.u32 s8, $0xFFFFF086  }
0x1c: {  	p1 =	slt.u32 s9, $0xF7A;
	s5 =	simm.s32 @!p2 $0x0  }
0x1d: {  	s5 =	simm.s32 @p1 $0x1;
	p0 =	seq.s32 s7, s2  }
0x1e: {  	s7 =	smul.u32 @!p0 $0xF7A, s2;
	p2 =	seq.s32 @!p0 s5, $0x0  }
0x1f: {  	s9 =	smul.u32 $0xF7A, s1;
	s8 =	simm.s32 @!p0 $0x1BF5;
	p2 =	por !p2, p0  }
0x20: {  	[sflag:s8] =	ssyncset.s32 @!p0 $0xFFFFF086;
	s6 =	sadd.s32 @!p0 s3, s7;
	s7 =	simm.s32 @!p0 $0x108  }
0x21: {  	s3 =	sadd.s32 s3, s9;
	s6 =	sadd.s32 @!p0 $0x88, s6;
	s7 =	simm.s32 @p2 $0x1082  }
0x22: {  	[simem:s7], [sflag:s8] =	dma.local @!p0 [hbm:s6], $0xF7A  }
0x23: {  	s9 =	sor.u32 $0xD0000000, s2;
	s6 =	simm.s32 $0x108;
	_ =	swait.ge @!p0 [sflag:s8], $0x0  }
0x24: {  	s3 =	sadd.s32 $0x88, s3;
	s6 =	simm.s32 @!p1 $0x1082;
	[sflag:s4] =	ssyncset.s32 $0xFFFFF086  }
0x25: {  	[simem:s6], [sflag:s4] =	dma.local [hbm:s3], $0xF7A  }
0x26: {  	[smem:$0x3F9D] =	sst s1;
	(tag) =	ssettag s2;
	_ =	strace s9  }
0x27: {  	s1 =	sld [smem:$0x3FAD]  }
0x28: {  	s2 =	sld [smem:$0x3FAE]  }
0x29: {  	s4 =	sld [smem:$0x3FB0]  }
0x2a: {  	p0 =	seq.s32 s5, $0x0;
	s5 =	sld [smem:$0x3FB1]  }
0x2b: {  	s6 =	sld [smem:$0x3FB2]  }
0x2c: {  	s7 =	sld [smem:$0x3FB3]  }
0x2d: {  	s3 =	simm.s32 $0x108;
	s8 =	sld [smem:$0x3FB4]  }
0x2e: {  	s3 =	simm.s32 @!p0 $0x1082;
	s9 =	sld [smem:$0x3FB5]  }
0x2f: {  	lr =	sadd.s32 s0, s3;
	s0 =	sld [smem:$0x3FAC]  }
0x30: {  	s3 =	sld [smem:$0x3FAF]  }
0x31: {  	[smem:$0x3FB8] =	sst s10  }
0x32: {  	s10 =	sld [smem:$0x3FB6];
	_ =	sdelay $0x3  }
0x33: {  	p0 =	seq.s32 s10, $0x1;
	s10 =	sld [smem:$0x3FB8];
	_ =	sdelay $0x3  }
0x34: {  	[smem:$0x3FB8] =	sst s10  }
0x35: {  	s10 =	sld [smem:$0x3FB7];
	_ =	sdelay $0x3  }
0x36: {  	p1 =	seq.s32 s10, $0x1;
	s10 =	sld [smem:$0x3FB8];
	_ =	sdelay $0x3  }
0x37: {  	[smem:$0x3FB8] =	sst s10  }
0x38: {  	s10 =	sld [smem:$0x3FB9]  }
0x39: {  	_ = 	snop;
	(pc) =	sbr.ind lr, $3  }
0x3a: {  	_ = 	snop  }
0x3b: {  	_ = 	snop  }
0x3c: {  	p2 =	seq.s32 s10, $0x1;
	s10 =	sld [smem:$0x3FB8]  }
0x3d: {  	_ =	shalt  }
0x3e: {  	_ =	shalt  }
0x3f: {  	_ =	shalt  }
0x40: {  	_ =	shalt  }
0x41: {  	_ =	shalt  }
0x42: {  	_ =	shalt  }
0x43: {  	_ =	shalt  }
0x44: {  	_ =	shalt  }
0x45: {  	_ =	shalt  }
0x46: {  	_ =	shalt  }
0x47: {  	_ =	shalt  }
0x48: {  	_ =	shalt  }
0x49: {  	_ =	shalt  }
0x4a: {  	_ =	shalt  }
0x4b: {  	_ =	shalt  }
0x4c: {  	_ =	shalt  }
0x4d: {  	_ =	shalt  }
0x4e: {  	_ =	shalt  }
0x4f: {  	_ =	shalt  }
0x50: {  	_ =	shalt  }
0x51: {  	_ =	shalt  }
0x52: {  	_ =	shalt  }
0x53: {  	_ =	shalt  }
0x54: {  	_ =	shalt  }
0x55: {  	_ =	shalt  }
0x56: {  	_ =	shalt  }
0x57: {  	_ =	shalt  }
0x58: {  	_ =	shalt  }
0x59: {  	_ =	shalt  }
0x5a: {  	_ =	shalt  }
0x5b: {  	_ =	shalt  }
0x5c: {  	_ =	shalt  }
0x5d: {  	_ =	shalt  }
0x5e: {  	_ =	shalt  }
0x5f: {  	_ =	shalt  }
0x60: {  	_ =	shalt  }
0x61: {  	_ =	shalt  }
0x62: {  	_ =	shalt  }
0x63: {  	_ =	shalt  }
0x64: {  	_ =	shalt  }
0x65: {  	_ =	shalt  }
0x66: {  	_ =	shalt  }
0x67: {  	_ =	shalt  }
0x68: {  	_ =	shalt  }
0x69: {  	_ =	shalt  }
0x6a: {  	_ =	shalt  }
0x6b: {  	_ =	shalt  }
0x6c: {  	_ =	shalt  }
0x6d: {  	_ =	shalt  }
0x6e: {  	_ =	shalt  }
0x6f: {  	_ =	shalt  }
0x70: {  	_ =	shalt  }
0x71: {  	_ =	shalt  }
0x72: {  	_ =	shalt  }
0x73: {  	_ =	shalt  }
0x74: {  	_ =	shalt  }
0x75: {  	_ =	shalt  }
0x76: {  	_ =	shalt  }
0x77: {  	_ =	shalt  }
0x78: {  	_ =	shalt  }
0x79: {  	_ =	shalt  }
0x7a: {  	_ =	shalt  }
0x7b: {  	_ =	shalt  }
0x7c: {  	_ =	shalt  }
0x7d: {  	_ =	shalt  }
0x7e: {  	_ =	shalt  }
0x7f: {  	_ =	shalt  }
0x80: {  	_ =	shalt  }
0x81: {  	_ =	shalt  }
0x82: {  	_ =	shalt  }
0x83: {  	_ =	shalt  }
0x84: {  	_ =	shalt  }
0x85: {  	_ =	shalt  }
0x86: {  	_ =	shalt  }
0x87: {  	_ =	shalt  }
.Lfunc_end0:
.L_simem_size_0:
called_computation_lowered:
.L_overlay_start_0:
0x88: {  	s2 =	sld [smem:$0x3FD9]  }
0x89: {  	s3 =	sld [smem:$0x3FFE];
	_ =	sdelay $0x1  }
0x8a: {  	s1 =	srdreg.scid  }
0x8b: {  	s0 =	sand.u32 $0x1, s1  }
0x8c: {  	s17 =	sshll.u32 s0, $0xA;
	s2 =	sadd.s32 s3, s2  }
0x8d: {  	s2 =	sadd.s32 s2, s17  }
0x8e: {  	[smem:$0x3FC4] =	sst s2  }
0x8f: {  	_ = 	snop  }
0x90: {  	s2 =	sld [smem:$0x3FD0];
	(tm) =	ssettm $0x1  }
0x91: {  	s18 =	sld [smem:$0x3FFB];
	_ =	sdelay $0x3  }
0x92: {  	_ =	strace s18  }
0x93: {  	s3 =	sld [smem:$0x3FFC];
	_ =	sdelay $0x3  }
0x94: {  	_ =	strace s3  }
0x95: {  	s3 =	sld [smem:$0x3FFD];
	_ =	sdelay $0x3  }
0x96: {  	_ =	strace s3  }
0x97: {  	_ =	strace $0x8FFFFFFF  }
0x98: {  	s19 =	sld [smem:$0x3FDB];
	_ =	sdelay $0x1  }
0x99: {  	s4 =	simm.s32 $_scs_section_size  }
0x9a: {  	s5 =	simm.s32 $_size__tile_overlayer_lowered;
	s6 =	simm.s32 $_tile_overlayer_lowered  }
0x9b: {  	s22 =	simm.s32 $0x1BFF;
	s21 =	sshll.u32 s6, $0x1;
	s3 =	sadd.s32 s4, s19  }
0x9c: {  	s7 =	simm.s32 $0x0;
	s20 =	sshll.u32 s5, $0x1;
	s5 =	sadd.s32 s21, s3  }
0x9d: {  	[timem:s7], [sflag:s22] =	dma.local [hbm:s5], s20  }
0x9e: {  	_ =	swait.ge [sflag:s22], s20  }
0x9f: {  	s4 =	ssub.s32 $0x0, s20;
	[sflag:s22] =	ssyncset.done $0x0  }
0xa0: {  	[sflag:s22] =	ssyncadd.s32 s4;
	_ =	sdelay $0x1  }
0xa1: {  	s23 =	simm.s32 $0x1B8B  }
0xa2: {  	_ =	swait.ge [sflag:s23], $0x1  }
0xa3: {  	[sflag:s23] =	ssyncset.done $0x0  }
0xa4: {  	s25 =	simm.s32 $0x1B8E;
	s24 =	sld [smem:$0x3FFE];
	[sflag:s23] =	ssyncadd.s32 $0xFFFFFFFF  }
0xa5: {  	s26 =	simm.s32 $execute0_lowered;
	[smem:$0x3FD2] =	sst s25  }
0xa6: {  	s5 =	sshll.u32 s26, $0x1;
	_ =	strace $0x80000046;
	[dreg:$0x1] =	wrdreg $0xFFFFFFFF  }
0xa7: {  	s28 =	simm.s32 $_size_execute0_lowered;
	s3 =	sadd.s32 s3, s5;
	[dreg:$0x0] =	wrdreg $0x0  }
0xa8: {  	s5 =	sshll.u32 s28, $0x1;
	[dreg:$0x2] =	wrdreg s3  }
0xa9: {  	[dreg:$0x3] =	wrdreg s5  }
0xaa: {  	[dreg:$0x4] =	wrdreg $0xC0  }
0xab: {  	_ =	task [dreg:s7], $0x5FFFF  }
0xac: {  	[dreg:$0x1] =	wrdreg $0xFFFFFFFF  }
0xad: {  	[dreg:$0x0] =	wrdreg $0x60  }
0xae: {  	[dreg:$0x2] =	wrdreg s24  }
0xaf: {  	[dreg:$0x3] =	wrdreg s2  }
0xb0: {  	[dreg:$0x4] =	wrdreg $0x9  }
0xb1: {  	_ =	task.clear_ibuf [dreg:s7], $0x5FFFF;
	_ =	strace $0x90000046  }
0xb2: {  	s29 =	simm.s32 $0x9;
	_ =	strace $0x80000048  }
0xb3: {  	_ =	swait.ge [sflag:s29], $0x1  }
0xb4: {  	[sflag:s29] =	ssyncadd.s32 $0xFFFFFFFF  }
0xb5: {  	_ =	strace $0x90000048  }
0xb6: {  	_ =	sfence  }
0xb7: {  	s30 =	sld [smem:$0x0];
	_ =	sdelay $0x2  }
0xb8: {  	s31 =	sshll.u32 s1, $0xD;
	s1 =	sshrl.u32 s1, $0x2  }
0xb9: {  	s3 =	sand.u32 $0x4000, s31;
	s1 =	sadd.s32 s1, s30  }
0xba: {  	s0 =	sor.u32 s3, s0;
	s1 =	sshll.u32 s1, $0x11  }
0xbb: {  	s0 =	sor.u32 s1, s0  }
0xbc: {  	s0 =	sadd.s32 $0x8F2B, s0  }
0xbd: {  	[sflag:s0] =	ssyncadd.remote.s32 $0x1  }
0xbe: {  	_ =	sfence.sel $0xFFFF  }
0xbf: {  	[dreg:$0x0] =	wrdreg $0xFFFFFFFF;
	(pc) =	sbr.abs _section_cstart, $3  }
0xc0: {  	[dreg:$0x1] =	wrdreg $0xFFFFFFFF  }
0xc1: {  	_ =	task.clear_ibuf [dreg:s7], $0x2FFFF;
	_ =	strace $0x9FFFFFFF  }
0xc2: {  	(tm) =	ssettm $0x7FFFFFFF  }
0xc3: {  	_ =	shalt  }
tec
execute0_lowered:
.L_overlay_start_1:
0x0: {  	(tag) =	ssettag $0x1  }
0x1: {  	s4 =	rddreg [dreg:$0x0]  }
0x2: {  	s6 =	rddreg [dreg:$0x1]  }
0x3: {  	s0 =	rddreg [dreg:$0x2]  }
0x4: {  	s2 =	simm.s32 $0x0;
	s3 =	srdreg.scid;
	s1 =	stileid.u32  }
0x5: {  	s11 =	simm.s32 $0x4200;
	s12 =	simm.s32 $0x100;
	s13 =	simm.s32 $0x8200  }
0x6: {  	s14 =	simm.s32 $0x180;
	s15 =	simm.s32 $0xC200;
	s16 =	simm.s32 $0x10200  }
0x7: {  	s17 =	simm.s32 $0x1;
	s18 =	simm.s32 $0x2;
	s19 =	simm.s32 $0x3  }
0x8: {  	s20 =	simm.s32 $0x4;
	s21 =	simm.s32 $0x12200;
	s22 =	simm.s32 $0x0  }
0x9: {  	[smem:$0x7FF] =	sst s2;
	s5 =	sand.u32 $0x1, s3;
	s7 =	sshll.u32 s1, $0x1  }
0xa: {  	s3 =	sadd.s32 $0xE00, s4;
	_ =	strace $0x80000047;
	s7 =	sor.u32 s5, s7  }
0xb: {  	s5 =	ssub.s32 $0x2, s5;
	s8 =	sshll.u32 s7, $0x6;
	s9 =	sshll.u32 s7, $0xA  }
0xc: {  	s31 =	sshrl.u32 s5, $0x1;
	s7 =	sshll.u32 s7, $0xB;
	s8 =	sadd.s32 s8, s4  }
0xd: {  	s9 =	sadd.s32 s9, s4;
	s10 =	ssub.s32 s5, s31;
	s6 =	sadd.s32 s6, s7  }
0xe: {  	s4 =	sadd.s32 $0x10E00, s8;
	s5 =	sadd.s32 $0x11600, s9;
	s7 =	smax.u32 s10, $0x1  }
0xf: {  	s8 =	simm.s32 $0x5;
	s9 =	simm.s32 $0x80;
	s10 =	simm.s32 $0x200  }
.LBB2_1:
0x10: {  	[tilespmem:s2], [sflag:$0x5] =	stream.linear.gather [hbm4b:s4+s2], $0x200, $0x38;
	[tilespmem:$0x16200] =	vst v63  }
0x11: {  	_ =	swait.ge [sflag:s8], $0x200  }
0x12: {  	[sflag:s8] =	ssyncset.done $0x0  }
0x13: {  	[sflag:s8] =	ssyncadd.s32 $0xFFFFFE00  }
0x14: {  	[tilespmem:s10], [sflag:$0x1] =	stream.indirect.gather [hbm4b:s3+s9], $0x80, s2, s9, $0xb8;
	[tilespmem:$0x16200] =	vst v63  }
0x15: {  	_ = 	snop  }
0x16: {  	[tilespmem:s11], [sflag:$0x2] =	stream.indirect.gather [hbm4b:s3+s9], $0x80, s9, s9, $0xb8;
	[tilespmem:$0x16200] =	vst v63  }
0x17: {  	_ = 	snop  }
0x18: {  	[tilespmem:s13], [sflag:$0x3] =	stream.indirect.gather [hbm4b:s3+s9], $0x80, s12, s9, $0xb8;
	[tilespmem:$0x16200] =	vst v63  }
0x19: {  	_ = 	snop  }
0x1a: {  	[tilespmem:s15], [sflag:$0x4] =	stream.indirect.gather [hbm4b:s3+s9], $0x80, s14, s9, $0xb8;
	[tilespmem:$0x16200] =	vst v63  }
0x1b: {  	_ = 	snop  }
0x1c: {  	[tilespmem:s16], [sflag:$0x5] =	stream.linear.gather [hbm4b:s5+s2], $0x2000, $0x38;
	[tilespmem:$0x16200] =	vst v63  }
0x1d: {  	_ =	swait.ge [sflag:s8], $0x2000  }
0x1e: {  	[sflag:s8] =	ssyncset.done $0x0  }
0x1f: {  	[sflag:s8] =	ssyncadd.s32 $0xFFFFE000  }
0x20: {  	_ =	swait.ge [sflag:s17], $0x4000  }
0x21: {  	[sflag:s17] =	ssyncset.done $0x0  }
0x22: {  	s23 =	simm.s32 $0x300;
	[sflag:s17] =	ssyncadd.s32 $0xFFFFC000  }
0x23: {  	v4 =	vld [tilespmem:s23+$0xFFFFFF00]  }
0x24: {  	s24 =	simm.s32 $0x0;
	v5 =	vld [tilespmem:s23+$0xFFFFFF80]  }
0x25: {  	v1 =	vld [tilespmem:s24+$0x10200]  }
0x26: {  	v2 =	vld [tilespmem:s24+$0x10210]  }
0x27: {  	v0 =	vld [tilespmem:s24+$0x10220]  }
0x28: {  	v6 =	vld [tilespmem:s23+$0x0]  }
0x29: {  	v7 =	vld [tilespmem:s23+$0x80]  }
0x2a: {  	v3 =	vld [tilespmem:s24+$0x10230]  }
0x2b: {  	v4 =	vmul.f32 v4, v1;
	v5 =	vmul.f32 v5, v2;
	_ =	sdelay $0x1  }
0x2c: {  	v4 =	vadd.f32 v5, v4;
	v5 =	vmul.f32 v6, v0;
	_ =	sdelay $0x1  }
0x2d: {  	v4 =	vadd.f32 v5, v4;
	v5 =	vmul.f32 v7, v3;
	_ =	sdelay $0x1  }
0x2e: {  	v4 =	vadd.f32 v5, v4  }
0x2f: {  	s24 =	simm.s32 $0x12240  }
0x30: {  	[tilespmem:s24+$0xFFFFFFC0] =	vst v4  }
0x31: {  	v4 =	vld [tilespmem:s23+$0xFFFFFF10]  }
0x32: {  	v5 =	vld [tilespmem:s23+$0xFFFFFF90];
	_ =	sdelay $0x1  }
0x33: {  	v6 =	vld [tilespmem:s23+$0x10];
	_ =	sdelay $0x1  }
0x34: {  	v7 =	vld [tilespmem:s23+$0x90]  }
0x35: {  	v4 =	vmul.f32 v4, v1;
	v5 =	vmul.f32 v5, v2;
	_ =	sdelay $0x1  }
0x36: {  	v4 =	vadd.f32 v5, v4;
	v5 =	vmul.f32 v6, v0;
	_ =	sdelay $0x1  }
0x37: {  	v4 =	vadd.f32 v5, v4;
	v5 =	vmul.f32 v7, v3;
	_ =	sdelay $0x1  }
0x38: {  	v4 =	vadd.f32 v5, v4;
	_ =	sdelay $0x1  }
0x39: {  	[tilespmem:s24+$0xFFFFFFD0] =	vst v4  }
0x3a: {  	v4 =	vld [tilespmem:s23+$0xFFFFFF20]  }
0x3b: {  	v5 =	vld [tilespmem:s23+$0xFFFFFFA0];
	_ =	sdelay $0x1  }
0x3c: {  	v6 =	vld [tilespmem:s23+$0x20];
	_ =	sdelay $0x1  }
0x3d: {  	v7 =	vld [tilespmem:s23+$0xA0]  }
0x3e: {  	v4 =	vmul.f32 v4, v1;
	v5 =	vmul.f32 v5, v2;
	_ =	sdelay $0x1  }
0x3f: {  	v4 =	vadd.f32 v5, v4;
	v5 =	vmul.f32 v6, v0;
	_ =	sdelay $0x1  }
0x40: {  	v4 =	vadd.f32 v5, v4;
	v5 =	vmul.f32 v7, v3;
	_ =	sdelay $0x1  }
0x41: {  	v4 =	vadd.f32 v5, v4;
	_ =	sdelay $0x1  }
0x42: {  	[tilespmem:s24+$0xFFFFFFE0] =	vst v4  }
0x43: {  	v4 =	vld [tilespmem:s23+$0xFFFFFF30]  }
0x44: {  	v5 =	vld [tilespmem:s23+$0xFFFFFFB0];
	_ =	sdelay $0x1  }
0x45: {  	v6 =	vld [tilespmem:s23+$0x30];
	_ =	sdelay $0x1  }
0x46: {  	v7 =	vld [tilespmem:s23+$0xB0]  }
0x47: {  	v4 =	vmul.f32 v4, v1;
	v5 =	vmul.f32 v5, v2;
	_ =	sdelay $0x1  }
0x48: {  	v6 =	vmul.f32 v6, v0;
	v4 =	vadd.f32 v5, v4;
	_ =	sdelay $0x1  }
0x49: {  	v5 =	vmul.f32 v7, v3;
	v4 =	vadd.f32 v6, v4;
	_ =	sdelay $0x1  }
0x4a: {  	v4 =	vadd.f32 v5, v4;
	_ =	sdelay $0x1  }
0x4b: {  	[tilespmem:s24+$0xFFFFFFF0] =	vst v4  }
0x4c: {  	v4 =	vld [tilespmem:s23+$0xFFFFFF40]  }
0x4d: {  	v5 =	vld [tilespmem:s23+$0xFFFFFFC0];
	_ =	sdelay $0x1  }
0x4e: {  	v6 =	vld [tilespmem:s23+$0x40];
	_ =	sdelay $0x1  }
0x4f: {  	v7 =	vld [tilespmem:s23+$0xC0]  }
0x50: {  	v4 =	vmul.f32 v4, v1;
	v5 =	vmul.f32 v5, v2;
	_ =	sdelay $0x1  }
0x51: {  	v4 =	vadd.f32 v5, v4;
	v5 =	vmul.f32 v6, v0;
	_ =	sdelay $0x1  }
0x52: {  	v4 =	vadd.f32 v5, v4;
	v5 =	vmul.f32 v7, v3;
	_ =	sdelay $0x1  }
0x53: {  	v4 =	vadd.f32 v5, v4;
	_ =	sdelay $0x1  }
0x54: {  	[tilespmem:s24+$0x0] =	vst v4  }
0x55: {  	v4 =	vld [tilespmem:s23+$0xFFFFFF50]  }
0x56: {  	v5 =	vld [tilespmem:s23+$0xFFFFFFD0];
	_ =	sdelay $0x1  }
0x57: {  	v6 =	vld [tilespmem:s23+$0x50];
	_ =	sdelay $0x1  }
0x58: {  	v7 =	vld [tilespmem:s23+$0xD0]  }
0x59: {  	v4 =	vmul.f32 v4, v1;
	v5 =	vmul.f32 v5, v2;
	_ =	sdelay $0x1  }
0x5a: {  	v4 =	vadd.f32 v5, v4;
	v5 =	vmul.f32 v6, v0;
	_ =	sdelay $0x1  }
0x5b: {  	v6 =	vmul.f32 v7, v3;
	v4 =	vadd.f32 v5, v4;
	_ =	sdelay $0x1  }
0x5c: {  	v4 =	vadd.f32 v6, v4;
	_ =	sdelay $0x1  }
0x5d: {  	[tilespmem:s24+$0x10] =	vst v4  }
0x5e: {  	v4 =	vld [tilespmem:s23+$0xFFFFFF60]  }
0x5f: {  	v5 =	vld [tilespmem:s23+$0xFFFFFFE0];
	_ =	sdelay $0x1  }
0x60: {  	v6 =	vld [tilespmem:s23+$0x60];
	_ =	sdelay $0x1  }
0x61: {  	v7 =	vld [tilespmem:s23+$0xE0]  }
0x62: {  	v4 =	vmul.f32 v4, v1;
	v5 =	vmul.f32 v5, v2;
	_ =	sdelay $0x1  }
0x63: {  	v6 =	vmul.f32 v6, v0;
	v4 =	vadd.f32 v5, v4;
	_ =	sdelay $0x1  }
0x64: {  	v5 =	vmul.f32 v7, v3;
	v4 =	vadd.f32 v6, v4;
	_ =	sdelay $0x1  }
0x65: {  	v4 =	vadd.f32 v5, v4;
	_ =	sdelay $0x1  }
0x66: {  	[tilespmem:s24+$0x20] =	vst v4  }
0x67: {  	v4 =	vld [tilespmem:s23+$0xFFFFFF70]  }
0x68: {  	s26 =	simm.s32 $0x100;
	s28 =	simm.s32 $0x300;
	s25 =	simm.s32 $0x12240;
	v5 =	vld [tilespmem:s23+$0xFFFFFFF0]  }
.LBB2_2:
0x69: {  	p0 =	sne.s32 s26, $0x1F00;
	v6 =	vld [tilespmem:s23+$0x70];
	s24 =	sadd.s32 $0x80, s24;
	s28 =	sadd.s32 $0x200, s28  }
0x6a: {  	s29 =	smov.u32 s26;
	s26 =	sadd.s32 $0x100, s26;
	v7 =	vld [tilespmem:s23+$0xF0];
	s23 =	smov.u32 s28  }
0x6b: {  	_ = 	snop  }
0x6c: {  	v1 =	vmul.f32 v4, v1  }
0x6d: {  	v2 =	vmul.f32 v5, v2;
	_ =	sdelay $0x1  }
0x6e: {  	v0 =	vmul.f32 v6, v0;
	v1 =	vadd.f32 v2, v1;
	v2 =	vmul.f32 v7, v3;
	_ =	sdelay $0x1  }
0x6f: {  	v0 =	vadd.f32 v0, v1;
	_ =	sdelay $0x1  }
0x70: {  	s29 =	sshra.s32 s29, $0x2;
	v0 =	vadd.f32 v2, v0;
	_ =	sdelay $0x1  }
0x71: {  	[tilespmem:s25+$0x30] =	vst v0;
	s25 =	smov.u32 s24  }
0x72: {  	v4 =	vld [tilespmem:s28+$0xFFFFFF00]  }
0x73: {  	v5 =	vld [tilespmem:s28+$0xFFFFFF80]  }
0x74: {  	v1 =	vld [tilespmem:s29+$0x10200]  }
0x75: {  	v2 =	vld [tilespmem:s29+$0x10210]  }
0x76: {  	v0 =	vld [tilespmem:s29+$0x10220]  }
0x77: {  	v6 =	vld [tilespmem:s28+$0x0]  }
0x78: {  	v7 =	vld [tilespmem:s28+$0x80]  }
0x79: {  	v3 =	vld [tilespmem:s29+$0x10230];
	v4 =	vmul.f32 v4, v1  }
0x7a: {  	v5 =	vmul.f32 v5, v2;
	_ =	sdelay $0x1  }
0x7b: {  	v4 =	vadd.f32 v5, v4;
	v5 =	vmul.f32 v6, v0;
	_ =	sdelay $0x1  }
0x7c: {  	v4 =	vadd.f32 v5, v4;
	v5 =	vmul.f32 v7, v3;
	_ =	sdelay $0x1  }
0x7d: {  	v4 =	vadd.f32 v5, v4;
	_ =	sdelay $0x1  }
0x7e: {  	[tilespmem:s24+$0xFFFFFFC0] =	vst v4  }
0x7f: {  	v4 =	vld [tilespmem:s28+$0xFFFFFF10]  }
0x80: {  	v5 =	vld [tilespmem:s28+$0xFFFFFF90];
	_ =	sdelay $0x1  }
0x81: {  	v6 =	vld [tilespmem:s28+$0x10];
	_ =	sdelay $0x1  }
0x82: {  	v4 =	vmul.f32 v4, v1;
	v7 =	vld [tilespmem:s28+$0x90]  }
0x83: {  	v5 =	vmul.f32 v5, v2;
	_ =	sdelay $0x1  }
0x84: {  	v4 =	vadd.f32 v5, v4;
	v5 =	vmul.f32 v6, v0;
	_ =	sdelay $0x1  }
0x85: {  	v4 =	vadd.f32 v5, v4;
	v5 =	vmul.f32 v7, v3;
	_ =	sdelay $0x1  }
0x86: {  	v4 =	vadd.f32 v5, v4;
	_ =	sdelay $0x1  }
0x87: {  	[tilespmem:s24+$0xFFFFFFD0] =	vst v4  }
0x88: {  	v4 =	vld [tilespmem:s28+$0xFFFFFF20]  }
0x89: {  	v5 =	vld [tilespmem:s28+$0xFFFFFFA0];
	_ =	sdelay $0x1  }
0x8a: {  	v6 =	vld [tilespmem:s28+$0x20];
	_ =	sdelay $0x1  }
0x8b: {  	v4 =	vmul.f32 v4, v1;
	v7 =	vld [tilespmem:s28+$0xA0]  }
0x8c: {  	v5 =	vmul.f32 v5, v2;
	_ =	sdelay $0x1  }
0x8d: {  	v4 =	vadd.f32 v5, v4;
	v5 =	vmul.f32 v6, v0;
	_ =	sdelay $0x1  }
0x8e: {  	v4 =	vadd.f32 v5, v4;
	v5 =	vmul.f32 v7, v3;
	_ =	sdelay $0x1  }
0x8f: {  	v4 =	vadd.f32 v5, v4;
	_ =	sdelay $0x1  }
0x90: {  	[tilespmem:s24+$0xFFFFFFE0] =	vst v4  }
0x91: {  	v4 =	vld [tilespmem:s28+$0xFFFFFF30]  }
0x92: {  	v5 =	vld [tilespmem:s28+$0xFFFFFFB0]  }
0x93: {  	v6 =	vld [tilespmem:s28+$0x30];
	_ =	sdelay $0x2  }
0x94: {  	v4 =	vmul.f32 v4, v1;
	v7 =	vld [tilespmem:s28+$0xB0]  }
0x95: {  	v5 =	vmul.f32 v5, v2  }
0x96: {  	v6 =	vmul.f32 v6, v0  }
0x97: {  	v4 =	vadd.f32 v5, v4;
	_ =	sdelay $0x1  }
0x98: {  	v4 =	vadd.f32 v6, v4;
	v5 =	vmul.f32 v7, v3;
	_ =	sdelay $0x1  }
0x99: {  	v4 =	vadd.f32 v5, v4;
	_ =	sdelay $0x1  }
0x9a: {  	[tilespmem:s24+$0xFFFFFFF0] =	vst v4  }
0x9b: {  	v4 =	vld [tilespmem:s28+$0xFFFFFF40]  }
0x9c: {  	v5 =	vld [tilespmem:s28+$0xFFFFFFC0];
	_ =	sdelay $0x1  }
0x9d: {  	v6 =	vld [tilespmem:s28+$0x40];
	_ =	sdelay $0x1  }
0x9e: {  	v4 =	vmul.f32 v4, v1;
	v7 =	vld [tilespmem:s28+$0xC0]  }
0x9f: {  	v5 =	vmul.f32 v5, v2;
	_ =	sdelay $0x1  }
0xa0: {  	v4 =	vadd.f32 v5, v4;
	v5 =	vmul.f32 v6, v0;
	_ =	sdelay $0x1  }
0xa1: {  	v4 =	vadd.f32 v5, v4;
	v5 =	vmul.f32 v7, v3;
	_ =	sdelay $0x1  }
0xa2: {  	v4 =	vadd.f32 v5, v4;
	_ =	sdelay $0x1  }
0xa3: {  	[tilespmem:s24+$0x0] =	vst v4  }
0xa4: {  	v4 =	vld [tilespmem:s28+$0xFFFFFF50]  }
0xa5: {  	v5 =	vld [tilespmem:s28+$0xFFFFFFD0]  }
0xa6: {  	v6 =	vld [tilespmem:s28+$0x50]  }
0xa7: {  	v7 =	vld [tilespmem:s28+$0xD0];
	_ =	sdelay $0x1  }
0xa8: {  	v4 =	vmul.f32 v4, v1  }
0xa9: {  	v5 =	vmul.f32 v5, v2;
	_ =	sdelay $0x1  }
0xaa: {  	v4 =	vadd.f32 v5, v4;
	v5 =	vmul.f32 v6, v0;
	v6 =	vmul.f32 v7, v3;
	_ =	sdelay $0x1  }
0xab: {  	v4 =	vadd.f32 v5, v4;
	_ =	sdelay $0x1  }
0xac: {  	v4 =	vadd.f32 v6, v4;
	_ =	sdelay $0x1  }
0xad: {  	[tilespmem:s24+$0x10] =	vst v4  }
0xae: {  	v4 =	vld [tilespmem:s28+$0xFFFFFF60]  }
0xaf: {  	v5 =	vld [tilespmem:s28+$0xFFFFFFE0]  }
0xb0: {  	v6 =	vld [tilespmem:s28+$0x60]  }
0xb1: {  	v7 =	vld [tilespmem:s28+$0xE0];
	_ =	sdelay $0x1  }
0xb2: {  	v4 =	vmul.f32 v4, v1  }
0xb3: {  	v5 =	vmul.f32 v5, v2  }
0xb4: {  	v6 =	vmul.f32 v6, v0  }
0xb5: {  	v4 =	vadd.f32 v5, v4;
	v5 =	vmul.f32 v7, v3;
	_ =	sdelay $0x1  }
0xb6: {  	v4 =	vadd.f32 v6, v4;
	_ =	sdelay $0x1  }
.Ltmp0:
0xb7: {  	v4 =	vadd.f32 v5, v4;
	(pc) =	sbr.rel @p0 .LBB2_2-.Ltmp0, $4  }
0xb8: {  	_ = 	snop  }
0xb9: {  	[tilespmem:s24+$0x20] =	vst v4  }
0xba: {  	v4 =	vld [tilespmem:s28+$0xFFFFFF70]  }
0xbb: {  	v5 =	vld [tilespmem:s28+$0xFFFFFFF0]  }
0xbc: {  	_ = 	snop  }
0xbd: {  	v6 =	vld [tilespmem:s23+$0x70];
	_ =	sdelay $0x1  }
0xbe: {  	v7 =	vld [tilespmem:s23+$0xF0]  }
0xbf: {  	v1 =	vmul.f32 v4, v1;
	v2 =	vmul.f32 v5, v2;
	_ =	sdelay $0x1  }
0xc0: {  	v0 =	vmul.f32 v6, v0;
	v1 =	vadd.f32 v2, v1;
	_ =	sdelay $0x1  }
0xc1: {  	v2 =	vmul.f32 v7, v3;
	v0 =	vadd.f32 v0, v1;
	_ =	sdelay $0x1  }
0xc2: {  	v0 =	vadd.f32 v2, v0;
	_ =	sdelay $0x1  }
0xc3: {  	[tilespmem:s25+$0x30] =	vst v0  }
0xc4: {  	_ =	swait.ge [sflag:s18], $0x4000  }
0xc5: {  	[sflag:s18] =	ssyncset.done $0x0  }
0xc6: {  	s23 =	simm.s32 $0x0;
	[sflag:s18] =	ssyncadd.s32 $0xFFFFC000  }
0xc7: {  	v4 =	vld [tilespmem:s23+$0x4200]  }
0xc8: {  	s24 =	simm.s32 $0x10A30;
	v5 =	vld [tilespmem:s23+$0x4280]  }
0xc9: {  	v0 =	vld [tilespmem:s24+$0xFFFFFFD0]  }
0xca: {  	v1 =	vld [tilespmem:s24+$0xFFFFFFE0]  }
0xcb: {  	v6 =	vld [tilespmem:s23+$0x4300]  }
0xcc: {  	v2 =	vld [tilespmem:s24+$0xFFFFFFF0]  }
0xcd: {  	v7 =	vld [tilespmem:s23+$0x4380]  }
0xce: {  	v3 =	vld [tilespmem:s24+$0x0]  }
0xcf: {  	v4 =	vmul.f32 v4, v0;
	v5 =	vmul.f32 v5, v1;
	_ =	sdelay $0x1  }
0xd0: {  	v4 =	vadd.f32 v5, v4;
	v5 =	vmul.f32 v6, v2;
	_ =	sdelay $0x1  }
0xd1: {  	v4 =	vadd.f32 v5, v4;
	v5 =	vmul.f32 v7, v3;
	_ =	sdelay $0x1  }
0xd2: {  	v4 =	vadd.f32 v5, v4  }
0xd3: {  	s25 =	simm.s32 $0x13270  }
0xd4: {  	[tilespmem:s25+$0xFFFFFF90] =	vst v4  }
0xd5: {  	v4 =	vld [tilespmem:s23+$0x4210]  }
0xd6: {  	v5 =	vld [tilespmem:s23+$0x4290];
	_ =	sdelay $0x1  }
0xd7: {  	v6 =	vld [tilespmem:s23+$0x4310];
	_ =	sdelay $0x1  }
0xd8: {  	v7 =	vld [tilespmem:s23+$0x4390]  }
0xd9: {  	v4 =	vmul.f32 v4, v0;
	v5 =	vmul.f32 v5, v1;
	_ =	sdelay $0x1  }
0xda: {  	v6 =	vmul.f32 v6, v2;
	v4 =	vadd.f32 v5, v4;
	_ =	sdelay $0x1  }
0xdb: {  	v5 =	vmul.f32 v7, v3;
	v4 =	vadd.f32 v6, v4;
	_ =	sdelay $0x1  }
0xdc: {  	v4 =	vadd.f32 v5, v4;
	_ =	sdelay $0x1  }
0xdd: {  	[tilespmem:s25+$0xFFFFFFA0] =	vst v4  }
0xde: {  	v4 =	vld [tilespmem:s23+$0x4220]  }
0xdf: {  	v5 =	vld [tilespmem:s23+$0x42A0];
	_ =	sdelay $0x1  }
0xe0: {  	v6 =	vld [tilespmem:s23+$0x4320];
	_ =	sdelay $0x1  }
0xe1: {  	v7 =	vld [tilespmem:s23+$0x43A0]  }
0xe2: {  	v4 =	vmul.f32 v4, v0;
	v5 =	vmul.f32 v5, v1;
	_ =	sdelay $0x1  }
0xe3: {  	v6 =	vmul.f32 v6, v2;
	v4 =	vadd.f32 v5, v4;
	_ =	sdelay $0x1  }
0xe4: {  	v5 =	vmul.f32 v7, v3;
	v4 =	vadd.f32 v6, v4;
	_ =	sdelay $0x1  }
0xe5: {  	v4 =	vadd.f32 v5, v4;
	_ =	sdelay $0x1  }
0xe6: {  	[tilespmem:s25+$0xFFFFFFB0] =	vst v4  }
0xe7: {  	v4 =	vld [tilespmem:s23+$0x4230]  }
0xe8: {  	v5 =	vld [tilespmem:s23+$0x42B0];
	_ =	sdelay $0x1  }
0xe9: {  	v6 =	vld [tilespmem:s23+$0x4330];
	_ =	sdelay $0x1  }
0xea: {  	v7 =	vld [tilespmem:s23+$0x43B0]  }
0xeb: {  	v4 =	vmul.f32 v4, v0;
	v5 =	vmul.f32 v5, v1;
	_ =	sdelay $0x1  }
0xec: {  	v6 =	vmul.f32 v6, v2;
	v4 =	vadd.f32 v5, v4;
	_ =	sdelay $0x1  }
0xed: {  	v5 =	vmul.f32 v7, v3;
	v4 =	vadd.f32 v6, v4;
	_ =	sdelay $0x1  }
0xee: {  	v4 =	vadd.f32 v5, v4;
	_ =	sdelay $0x1  }
0xef: {  	[tilespmem:s25+$0xFFFFFFC0] =	vst v4  }
0xf0: {  	v4 =	vld [tilespmem:s23+$0x4240]  }
0xf1: {  	v5 =	vld [tilespmem:s23+$0x42C0];
	_ =	sdelay $0x1  }
0xf2: {  	v6 =	vld [tilespmem:s23+$0x4340];
	_ =	sdelay $0x1  }
0xf3: {  	v7 =	vld [tilespmem:s23+$0x43C0]  }
0xf4: {  	v4 =	vmul.f32 v4, v0;
	v5 =	vmul.f32 v5, v1;
	_ =	sdelay $0x1  }
0xf5: {  	v6 =	vmul.f32 v6, v2;
	v4 =	vadd.f32 v5, v4;
	_ =	sdelay $0x1  }
0xf6: {  	v5 =	vmul.f32 v7, v3;
	v4 =	vadd.f32 v6, v4;
	_ =	sdelay $0x1  }
0xf7: {  	v4 =	vadd.f32 v5, v4;
	_ =	sdelay $0x1  }
0xf8: {  	[tilespmem:s25+$0xFFFFFFD0] =	vst v4  }
0xf9: {  	v4 =	vld [tilespmem:s23+$0x4250]  }
0xfa: {  	v5 =	vld [tilespmem:s23+$0x42D0];
	_ =	sdelay $0x1  }
0xfb: {  	v6 =	vld [tilespmem:s23+$0x4350];
	_ =	sdelay $0x1  }
0xfc: {  	v7 =	vld [tilespmem:s23+$0x43D0]  }
0xfd: {  	v4 =	vmul.f32 v4, v0;
	v5 =	vmul.f32 v5, v1;
	_ =	sdelay $0x1  }
0xfe: {  	v6 =	vmul.f32 v6, v2;
	v4 =	vadd.f32 v5, v4;
	_ =	sdelay $0x1  }
0xff: {  	s28 =	simm.s32 $0x800;
	s26 =	simm.s32 $0x13270;
	v5 =	vmul.f32 v7, v3;
	v4 =	vadd.f32 v6, v4  }
.LBB2_4:
0x100: {  	p0 =	sne.s32 s28, $0xF800;
	s25 =	sadd.s32 $0x80, s25;
	s24 =	sadd.s32 $0x40, s24  }
0x101: {  	s29 =	smov.u32 s28;
	s28 =	sadd.s32 $0x800, s28;
	v4 =	vadd.f32 v5, v4;
	_ =	sdelay $0x1  }
0x102: {  	[tilespmem:s26+$0xFFFFFFE0] =	vst v4  }
0x103: {  	v4 =	vld [tilespmem:s23+$0x4260]  }
0x104: {  	v5 =	vld [tilespmem:s23+$0x42E0]  }
0x105: {  	v6 =	vld [tilespmem:s23+$0x4360]  }
0x106: {  	v7 =	vld [tilespmem:s23+$0x43E0];
	_ =	sdelay $0x1  }
0x107: {  	v4 =	vmul.f32 v4, v0  }
0x108: {  	s29 =	sshra.s32 s29, $0x2;
	v5 =	vmul.f32 v5, v1  }
0x109: {  	v6 =	vmul.f32 v6, v2  }
0x10a: {  	v4 =	vadd.f32 v5, v4;
	_ =	sdelay $0x1  }
0x10b: {  	v5 =	vmul.f32 v7, v3;
	v4 =	vadd.f32 v6, v4;
	_ =	sdelay $0x1  }
0x10c: {  	v4 =	vadd.f32 v5, v4;
	_ =	sdelay $0x1  }
0x10d: {  	[tilespmem:s26+$0xFFFFFFF0] =	vst v4  }
0x10e: {  	v4 =	vld [tilespmem:s23+$0x4270]  }
0x10f: {  	v5 =	vld [tilespmem:s23+$0x42F0]  }
0x110: {  	v6 =	vld [tilespmem:s23+$0x4370]  }
0x111: {  	v7 =	vld [tilespmem:s23+$0x43F0];
	s23 =	smov.u32 s29;
	_ =	sdelay $0x1  }
0x112: {  	v0 =	vmul.f32 v4, v0  }
0x113: {  	v1 =	vmul.f32 v5, v1  }
0x114: {  	v2 =	vmul.f32 v6, v2  }
0x115: {  	v0 =	vadd.f32 v1, v0  }
0x116: {  	v1 =	vmul.f32 v7, v3  }
0x117: {  	v0 =	vadd.f32 v2, v0;
	_ =	sdelay $0x1  }
0x118: {  	v0 =	vadd.f32 v1, v0;
	_ =	sdelay $0x1  }
0x119: {  	[tilespmem:s26+$0x0] =	vst v0;
	s26 =	smov.u32 s25  }
0x11a: {  	v4 =	vld [tilespmem:s23+$0x4200]  }
0x11b: {  	v5 =	vld [tilespmem:s23+$0x4280]  }
0x11c: {  	v0 =	vld [tilespmem:s24+$0xFFFFFFD0]  }
0x11d: {  	v1 =	vld [tilespmem:s24+$0xFFFFFFE0]  }
0x11e: {  	v6 =	vld [tilespmem:s23+$0x4300]  }
0x11f: {  	v2 =	vld [tilespmem:s24+$0xFFFFFFF0]  }
0x120: {  	v7 =	vld [tilespmem:s23+$0x4380]  }
0x121: {  	v3 =	vld [tilespmem:s24+$0x0];
	v4 =	vmul.f32 v4, v0  }
0x122: {  	v5 =	vmul.f32 v5, v1;
	_ =	sdelay $0x1  }
0x123: {  	v4 =	vadd.f32 v5, v4;
	v5 =	vmul.f32 v6, v2;
	_ =	sdelay $0x1  }
0x124: {  	v4 =	vadd.f32 v5, v4;
	v5 =	vmul.f32 v7, v3;
	_ =	sdelay $0x1  }
0x125: {  	v4 =	vadd.f32 v5, v4;
	_ =	sdelay $0x1  }
0x126: {  	[tilespmem:s25+$0xFFFFFF90] =	vst v4  }
0x127: {  	v4 =	vld [tilespmem:s23+$0x4210]  }
0x128: {  	v5 =	vld [tilespmem:s23+$0x4290]  }
0x129: {  	v6 =	vld [tilespmem:s23+$0x4310];
	_ =	sdelay $0x2  }
0x12a: {  	v4 =	vmul.f32 v4, v0;
	v7 =	vld [tilespmem:s23+$0x4390]  }
0x12b: {  	v5 =	vmul.f32 v5, v1  }
0x12c: {  	v6 =	vmul.f32 v6, v2  }
0x12d: {  	v4 =	vadd.f32 v5, v4;
	_ =	sdelay $0x1  }
0x12e: {  	v4 =	vadd.f32 v6, v4;
	v5 =	vmul.f32 v7, v3;
	_ =	sdelay $0x1  }
0x12f: {  	v4 =	vadd.f32 v5, v4;
	_ =	sdelay $0x1  }
0x130: {  	[tilespmem:s25+$0xFFFFFFA0] =	vst v4  }
0x131: {  	v4 =	vld [tilespmem:s23+$0x4220]  }
0x132: {  	v5 =	vld [tilespmem:s23+$0x42A0]  }
0x133: {  	v6 =	vld [tilespmem:s23+$0x4320];
	_ =	sdelay $0x2  }
0x134: {  	v4 =	vmul.f32 v4, v0;
	v7 =	vld [tilespmem:s23+$0x43A0]  }
0x135: {  	v5 =	vmul.f32 v5, v1  }
0x136: {  	v6 =	vmul.f32 v6, v2  }
0x137: {  	v4 =	vadd.f32 v5, v4;
	_ =	sdelay $0x1  }
0x138: {  	v4 =	vadd.f32 v6, v4;
	v5 =	vmul.f32 v7, v3;
	_ =	sdelay $0x1  }
0x139: {  	v4 =	vadd.f32 v5, v4;
	_ =	sdelay $0x1  }
0x13a: {  	[tilespmem:s25+$0xFFFFFFB0] =	vst v4  }
0x13b: {  	v4 =	vld [tilespmem:s23+$0x4230]  }
0x13c: {  	v5 =	vld [tilespmem:s23+$0x42B0]  }
0x13d: {  	v6 =	vld [tilespmem:s23+$0x4330];
	_ =	sdelay $0x2  }
0x13e: {  	v4 =	vmul.f32 v4, v0;
	v7 =	vld [tilespmem:s23+$0x43B0]  }
0x13f: {  	v5 =	vmul.f32 v5, v1  }
0x140: {  	v6 =	vmul.f32 v6, v2  }
0x141: {  	v4 =	vadd.f32 v5, v4;
	_ =	sdelay $0x1  }
0x142: {  	v4 =	vadd.f32 v6, v4;
	v5 =	vmul.f32 v7, v3;
	_ =	sdelay $0x1  }
0x143: {  	v4 =	vadd.f32 v5, v4;
	_ =	sdelay $0x1  }
0x144: {  	[tilespmem:s25+$0xFFFFFFC0] =	vst v4  }
0x145: {  	v4 =	vld [tilespmem:s23+$0x4240]  }
0x146: {  	v5 =	vld [tilespmem:s23+$0x42C0]  }
0x147: {  	v6 =	vld [tilespmem:s23+$0x4340]  }
0x148: {  	v7 =	vld [tilespmem:s23+$0x43C0];
	_ =	sdelay $0x1  }
0x149: {  	v4 =	vmul.f32 v4, v0  }
0x14a: {  	v5 =	vmul.f32 v5, v1  }
0x14b: {  	v6 =	vmul.f32 v6, v2  }
0x14c: {  	v4 =	vadd.f32 v5, v4;
	_ =	sdelay $0x1  }
0x14d: {  	v5 =	vmul.f32 v7, v3;
	v4 =	vadd.f32 v6, v4;
	_ =	sdelay $0x1  }
0x14e: {  	v4 =	vadd.f32 v5, v4;
	_ =	sdelay $0x1  }
0x14f: {  	[tilespmem:s25+$0xFFFFFFD0] =	vst v4  }
0x150: {  	v4 =	vld [tilespmem:s23+$0x4250]  }
0x151: {  	v5 =	vld [tilespmem:s23+$0x42D0]  }
0x152: {  	v6 =	vld [tilespmem:s23+$0x4350]  }
0x153: {  	v7 =	vld [tilespmem:s23+$0x43D0];
	_ =	sdelay $0x1  }
0x154: {  	v4 =	vmul.f32 v4, v0  }
.Ltmp1:
0x155: {  	v5 =	vmul.f32 v5, v1;
	(pc) =	sbr.rel @p0 .LBB2_4-.Ltmp1, $3  }
0x156: {  	v6 =	vmul.f32 v6, v2  }
0x157: {  	v4 =	vadd.f32 v5, v4;
	_ =	sdelay $0x1  }
0x158: {  	v5 =	vmul.f32 v7, v3;
	v4 =	vadd.f32 v6, v4  }
0x159: {  	_ = 	snop  }
0x15a: {  	v4 =	vadd.f32 v5, v4;
	_ =	sdelay $0x1  }
0x15b: {  	[tilespmem:s26+$0xFFFFFFE0] =	vst v4  }
0x15c: {  	v4 =	vld [tilespmem:s23+$0x4260]  }
0x15d: {  	v5 =	vld [tilespmem:s23+$0x42E0];
	_ =	sdelay $0x1  }
0x15e: {  	v6 =	vld [tilespmem:s23+$0x4360];
	_ =	sdelay $0x1  }
0x15f: {  	v7 =	vld [tilespmem:s23+$0x43E0]  }
0x160: {  	v4 =	vmul.f32 v4, v0;
	v5 =	vmul.f32 v5, v1;
	_ =	sdelay $0x1  }
0x161: {  	v6 =	vmul.f32 v6, v2;
	v4 =	vadd.f32 v5, v4;
	_ =	sdelay $0x1  }
0x162: {  	v5 =	vmul.f32 v7, v3;
	v4 =	vadd.f32 v6, v4;
	_ =	sdelay $0x1  }
0x163: {  	v4 =	vadd.f32 v5, v4;
	_ =	sdelay $0x1  }
0x164: {  	[tilespmem:s26+$0xFFFFFFF0] =	vst v4  }
0x165: {  	v4 =	vld [tilespmem:s23+$0x4270]  }
0x166: {  	v5 =	vld [tilespmem:s23+$0x42F0];
	_ =	sdelay $0x1  }
0x167: {  	v6 =	vld [tilespmem:s23+$0x4370];
	_ =	sdelay $0x1  }
0x168: {  	v7 =	vld [tilespmem:s23+$0x43F0]  }
0x169: {  	v0 =	vmul.f32 v4, v0;
	v1 =	vmul.f32 v5, v1;
	_ =	sdelay $0x1  }
0x16a: {  	v2 =	vmul.f32 v6, v2;
	v0 =	vadd.f32 v1, v0;
	_ =	sdelay $0x1  }
0x16b: {  	v1 =	vmul.f32 v7, v3;
	v0 =	vadd.f32 v2, v0;
	_ =	sdelay $0x1  }
0x16c: {  	v0 =	vadd.f32 v1, v0;
	_ =	sdelay $0x1  }
0x16d: {  	[tilespmem:s26+$0x0] =	vst v0  }
0x16e: {  	_ =	swait.ge [sflag:s19], $0x4000  }
0x16f: {  	[sflag:s19] =	ssyncset.done $0x0  }
0x170: {  	s23 =	simm.s32 $0x0;
	[sflag:s19] =	ssyncadd.s32 $0xFFFFC000  }
0x171: {  	v4 =	vld [tilespmem:s23+$0x8200]  }
0x172: {  	s24 =	simm.s32 $0x11230;
	v5 =	vld [tilespmem:s23+$0x8280]  }
0x173: {  	v0 =	vld [tilespmem:s24+$0xFFFFFFD0]  }
0x174: {  	v1 =	vld [tilespmem:s24+$0xFFFFFFE0]  }
0x175: {  	v6 =	vld [tilespmem:s23+$0x8300]  }
0x176: {  	v2 =	vld [tilespmem:s24+$0xFFFFFFF0]  }
0x177: {  	v7 =	vld [tilespmem:s23+$0x8380]  }
0x178: {  	v3 =	vld [tilespmem:s24+$0x0]  }
0x179: {  	v4 =	vmul.f32 v4, v0;
	v5 =	vmul.f32 v5, v1;
	_ =	sdelay $0x1  }
0x17a: {  	v4 =	vadd.f32 v5, v4;
	v5 =	vmul.f32 v6, v2;
	_ =	sdelay $0x1  }
0x17b: {  	v4 =	vadd.f32 v5, v4;
	v5 =	vmul.f32 v7, v3;
	_ =	sdelay $0x1  }
0x17c: {  	v4 =	vadd.f32 v5, v4  }
0x17d: {  	s25 =	simm.s32 $0x14270  }
0x17e: {  	[tilespmem:s25+$0xFFFFFF90] =	vst v4  }
0x17f: {  	v4 =	vld [tilespmem:s23+$0x8210]  }
0x180: {  	v5 =	vld [tilespmem:s23+$0x8290];
	_ =	sdelay $0x1  }
0x181: {  	v6 =	vld [tilespmem:s23+$0x8310];
	_ =	sdelay $0x1  }
0x182: {  	v7 =	vld [tilespmem:s23+$0x8390]  }
0x183: {  	v4 =	vmul.f32 v4, v0;
	v5 =	vmul.f32 v5, v1;
	_ =	sdelay $0x1  }
0x184: {  	v6 =	vmul.f32 v6, v2;
	v4 =	vadd.f32 v5, v4;
	_ =	sdelay $0x1  }
0x185: {  	v5 =	vmul.f32 v7, v3;
	v4 =	vadd.f32 v6, v4;
	_ =	sdelay $0x1  }
0x186: {  	v4 =	vadd.f32 v5, v4;
	_ =	sdelay $0x1  }
0x187: {  	[tilespmem:s25+$0xFFFFFFA0] =	vst v4  }
0x188: {  	v4 =	vld [tilespmem:s23+$0x8220]  }
0x189: {  	v5 =	vld [tilespmem:s23+$0x82A0];
	_ =	sdelay $0x1  }
0x18a: {  	v6 =	vld [tilespmem:s23+$0x8320];
	_ =	sdelay $0x1  }
0x18b: {  	v7 =	vld [tilespmem:s23+$0x83A0]  }
0x18c: {  	v4 =	vmul.f32 v4, v0;
	v5 =	vmul.f32 v5, v1;
	_ =	sdelay $0x1  }
0x18d: {  	v6 =	vmul.f32 v6, v2;
	v4 =	vadd.f32 v5, v4;
	_ =	sdelay $0x1  }
0x18e: {  	v5 =	vmul.f32 v7, v3;
	v4 =	vadd.f32 v6, v4;
	_ =	sdelay $0x1  }
0x18f: {  	v4 =	vadd.f32 v5, v4;
	_ =	sdelay $0x1  }
0x190: {  	[tilespmem:s25+$0xFFFFFFB0] =	vst v4  }
0x191: {  	v4 =	vld [tilespmem:s23+$0x8230]  }
0x192: {  	v5 =	vld [tilespmem:s23+$0x82B0];
	_ =	sdelay $0x1  }
0x193: {  	v6 =	vld [tilespmem:s23+$0x8330];
	_ =	sdelay $0x1  }
0x194: {  	v7 =	vld [tilespmem:s23+$0x83B0]  }
0x195: {  	v4 =	vmul.f32 v4, v0;
	v5 =	vmul.f32 v5, v1;
	_ =	sdelay $0x1  }
0x196: {  	v6 =	vmul.f32 v6, v2;
	v4 =	vadd.f32 v5, v4;
	_ =	sdelay $0x1  }
0x197: {  	v5 =	vmul.f32 v7, v3;
	v4 =	vadd.f32 v6, v4;
	_ =	sdelay $0x1  }
0x198: {  	v4 =	vadd.f32 v5, v4;
	_ =	sdelay $0x1  }
0x199: {  	[tilespmem:s25+$0xFFFFFFC0] =	vst v4  }
0x19a: {  	v4 =	vld [tilespmem:s23+$0x8240]  }
0x19b: {  	v5 =	vld [tilespmem:s23+$0x82C0];
	_ =	sdelay $0x1  }
0x19c: {  	v6 =	vld [tilespmem:s23+$0x8340];
	_ =	sdelay $0x1  }
0x19d: {  	v7 =	vld [tilespmem:s23+$0x83C0]  }
0x19e: {  	v4 =	vmul.f32 v4, v0;
	v5 =	vmul.f32 v5, v1;
	_ =	sdelay $0x1  }
0x19f: {  	v6 =	vmul.f32 v6, v2;
	v4 =	vadd.f32 v5, v4;
	_ =	sdelay $0x1  }
0x1a0: {  	v5 =	vmul.f32 v7, v3;
	v4 =	vadd.f32 v6, v4;
	_ =	sdelay $0x1  }
0x1a1: {  	v4 =	vadd.f32 v5, v4;
	_ =	sdelay $0x1  }
0x1a2: {  	[tilespmem:s25+$0xFFFFFFD0] =	vst v4  }
0x1a3: {  	v4 =	vld [tilespmem:s23+$0x8250]  }
0x1a4: {  	v5 =	vld [tilespmem:s23+$0x82D0];
	_ =	sdelay $0x1  }
0x1a5: {  	v6 =	vld [tilespmem:s23+$0x8350];
	_ =	sdelay $0x1  }
0x1a6: {  	v7 =	vld [tilespmem:s23+$0x83D0]  }
0x1a7: {  	v4 =	vmul.f32 v4, v0;
	v5 =	vmul.f32 v5, v1;
	_ =	sdelay $0x1  }
0x1a8: {  	v6 =	vmul.f32 v6, v2;
	v4 =	vadd.f32 v5, v4;
	_ =	sdelay $0x1  }
0x1a9: {  	s28 =	simm.s32 $0x800;
	s26 =	simm.s32 $0x14270;
	v5 =	vmul.f32 v7, v3;
	v4 =	vadd.f32 v6, v4  }
.LBB2_6:
0x1aa: {  	p0 =	sne.s32 s28, $0xF800;
	s25 =	sadd.s32 $0x80, s25;
	s24 =	sadd.s32 $0x40, s24  }
0x1ab: {  	s29 =	smov.u32 s28;
	s28 =	sadd.s32 $0x800, s28;
	v4 =	vadd.f32 v5, v4;
	_ =	sdelay $0x1  }
0x1ac: {  	[tilespmem:s26+$0xFFFFFFE0] =	vst v4  }
0x1ad: {  	v4 =	vld [tilespmem:s23+$0x8260]  }
0x1ae: {  	v5 =	vld [tilespmem:s23+$0x82E0]  }
0x1af: {  	v6 =	vld [tilespmem:s23+$0x8360]  }
0x1b0: {  	v7 =	vld [tilespmem:s23+$0x83E0];
	_ =	sdelay $0x1  }
0x1b1: {  	v4 =	vmul.f32 v4, v0  }
0x1b2: {  	s29 =	sshra.s32 s29, $0x2;
	v5 =	vmul.f32 v5, v1  }
0x1b3: {  	v6 =	vmul.f32 v6, v2  }
0x1b4: {  	v4 =	vadd.f32 v5, v4;
	_ =	sdelay $0x1  }
0x1b5: {  	v5 =	vmul.f32 v7, v3;
	v4 =	vadd.f32 v6, v4;
	_ =	sdelay $0x1  }
0x1b6: {  	v4 =	vadd.f32 v5, v4;
	_ =	sdelay $0x1  }
0x1b7: {  	[tilespmem:s26+$0xFFFFFFF0] =	vst v4  }
0x1b8: {  	v4 =	vld [tilespmem:s23+$0x8270]  }
0x1b9: {  	v5 =	vld [tilespmem:s23+$0x82F0]  }
0x1ba: {  	v6 =	vld [tilespmem:s23+$0x8370]  }
0x1bb: {  	v7 =	vld [tilespmem:s23+$0x83F0];
	s23 =	smov.u32 s29;
	_ =	sdelay $0x1  }
0x1bc: {  	v0 =	vmul.f32 v4, v0  }
0x1bd: {  	v1 =	vmul.f32 v5, v1  }
0x1be: {  	v2 =	vmul.f32 v6, v2  }
0x1bf: {  	v0 =	vadd.f32 v1, v0  }
0x1c0: {  	v1 =	vmul.f32 v7, v3  }
0x1c1: {  	v0 =	vadd.f32 v2, v0;
	_ =	sdelay $0x1  }
0x1c2: {  	v0 =	vadd.f32 v1, v0;
	_ =	sdelay $0x1  }
0x1c3: {  	[tilespmem:s26+$0x0] =	vst v0;
	s26 =	smov.u32 s25  }
0x1c4: {  	v4 =	vld [tilespmem:s23+$0x8200]  }
0x1c5: {  	v5 =	vld [tilespmem:s23+$0x8280]  }
0x1c6: {  	v0 =	vld [tilespmem:s24+$0xFFFFFFD0]  }
0x1c7: {  	v1 =	vld [tilespmem:s24+$0xFFFFFFE0]  }
0x1c8: {  	v6 =	vld [tilespmem:s23+$0x8300]  }
0x1c9: {  	v2 =	vld [tilespmem:s24+$0xFFFFFFF0]  }
0x1ca: {  	v7 =	vld [tilespmem:s23+$0x8380]  }
0x1cb: {  	v3 =	vld [tilespmem:s24+$0x0];
	v4 =	vmul.f32 v4, v0  }
0x1cc: {  	v5 =	vmul.f32 v5, v1;
	_ =	sdelay $0x1  }
0x1cd: {  	v4 =	vadd.f32 v5, v4;
	v5 =	vmul.f32 v6, v2;
	_ =	sdelay $0x1  }
0x1ce: {  	v4 =	vadd.f32 v5, v4;
	v5 =	vmul.f32 v7, v3;
	_ =	sdelay $0x1  }
0x1cf: {  	v4 =	vadd.f32 v5, v4;
	_ =	sdelay $0x1  }
0x1d0: {  	[tilespmem:s25+$0xFFFFFF90] =	vst v4  }
0x1d1: {  	v4 =	vld [tilespmem:s23+$0x8210]  }
0x1d2: {  	v5 =	vld [tilespmem:s23+$0x8290]  }
0x1d3: {  	v6 =	vld [tilespmem:s23+$0x8310];
	_ =	sdelay $0x2  }
0x1d4: {  	v4 =	vmul.f32 v4, v0;
	v7 =	vld [tilespmem:s23+$0x8390]  }
0x1d5: {  	v5 =	vmul.f32 v5, v1  }
0x1d6: {  	v6 =	vmul.f32 v6, v2  }
0x1d7: {  	v4 =	vadd.f32 v5, v4;
	_ =	sdelay $0x1  }
0x1d8: {  	v4 =	vadd.f32 v6, v4;
	v5 =	vmul.f32 v7, v3;
	_ =	sdelay $0x1  }
0x1d9: {  	v4 =	vadd.f32 v5, v4;
	_ =	sdelay $0x1  }
0x1da: {  	[tilespmem:s25+$0xFFFFFFA0] =	vst v4  }
0x1db: {  	v4 =	vld [tilespmem:s23+$0x8220]  }
0x1dc: {  	v5 =	vld [tilespmem:s23+$0x82A0]  }
0x1dd: {  	v6 =	vld [tilespmem:s23+$0x8320];
	_ =	sdelay $0x2  }
0x1de: {  	v4 =	vmul.f32 v4, v0;
	v7 =	vld [tilespmem:s23+$0x83A0]  }
0x1df: {  	v5 =	vmul.f32 v5, v1  }
0x1e0: {  	v6 =	vmul.f32 v6, v2  }
0x1e1: {  	v4 =	vadd.f32 v5, v4;
	_ =	sdelay $0x1  }
0x1e2: {  	v4 =	vadd.f32 v6, v4;
	v5 =	vmul.f32 v7, v3;
	_ =	sdelay $0x1  }
0x1e3: {  	v4 =	vadd.f32 v5, v4;
	_ =	sdelay $0x1  }
0x1e4: {  	[tilespmem:s25+$0xFFFFFFB0] =	vst v4  }
0x1e5: {  	v4 =	vld [tilespmem:s23+$0x8230]  }
0x1e6: {  	v5 =	vld [tilespmem:s23+$0x82B0]  }
0x1e7: {  	v6 =	vld [tilespmem:s23+$0x8330];
	_ =	sdelay $0x2  }
0x1e8: {  	v4 =	vmul.f32 v4, v0;
	v7 =	vld [tilespmem:s23+$0x83B0]  }
0x1e9: {  	v5 =	vmul.f32 v5, v1  }
0x1ea: {  	v6 =	vmul.f32 v6, v2  }
0x1eb: {  	v4 =	vadd.f32 v5, v4;
	_ =	sdelay $0x1  }
0x1ec: {  	v4 =	vadd.f32 v6, v4;
	v5 =	vmul.f32 v7, v3;
	_ =	sdelay $0x1  }
0x1ed: {  	v4 =	vadd.f32 v5, v4;
	_ =	sdelay $0x1  }
0x1ee: {  	[tilespmem:s25+$0xFFFFFFC0] =	vst v4  }
0x1ef: {  	v4 =	vld [tilespmem:s23+$0x8240]  }
0x1f0: {  	v5 =	vld [tilespmem:s23+$0x82C0]  }
0x1f1: {  	v6 =	vld [tilespmem:s23+$0x8340]  }
0x1f2: {  	v7 =	vld [tilespmem:s23+$0x83C0];
	_ =	sdelay $0x1  }
0x1f3: {  	v4 =	vmul.f32 v4, v0  }
0x1f4: {  	v5 =	vmul.f32 v5, v1  }
0x1f5: {  	v6 =	vmul.f32 v6, v2  }
0x1f6: {  	v4 =	vadd.f32 v5, v4;
	_ =	sdelay $0x1  }
0x1f7: {  	v5 =	vmul.f32 v7, v3;
	v4 =	vadd.f32 v6, v4;
	_ =	sdelay $0x1  }
0x1f8: {  	v4 =	vadd.f32 v5, v4;
	_ =	sdelay $0x1  }
0x1f9: {  	[tilespmem:s25+$0xFFFFFFD0] =	vst v4  }
0x1fa: {  	v4 =	vld [tilespmem:s23+$0x8250]  }
0x1fb: {  	v5 =	vld [tilespmem:s23+$0x82D0]  }
0x1fc: {  	v6 =	vld [tilespmem:s23+$0x8350]  }
0x1fd: {  	v7 =	vld [tilespmem:s23+$0x83D0];
	_ =	sdelay $0x1  }
0x1fe: {  	v4 =	vmul.f32 v4, v0  }
.Ltmp2:
0x1ff: {  	v5 =	vmul.f32 v5, v1;
	(pc) =	sbr.rel @p0 .LBB2_6-.Ltmp2, $3  }
0x200: {  	v6 =	vmul.f32 v6, v2  }
0x201: {  	v4 =	vadd.f32 v5, v4;
	_ =	sdelay $0x1  }
0x202: {  	v5 =	vmul.f32 v7, v3;
	v4 =	vadd.f32 v6, v4  }
0x203: {  	_ = 	snop  }
0x204: {  	v4 =	vadd.f32 v5, v4;
	_ =	sdelay $0x1  }
0x205: {  	[tilespmem:s26+$0xFFFFFFE0] =	vst v4  }
0x206: {  	v4 =	vld [tilespmem:s23+$0x8260]  }
0x207: {  	v5 =	vld [tilespmem:s23+$0x82E0];
	_ =	sdelay $0x1  }
0x208: {  	v6 =	vld [tilespmem:s23+$0x8360];
	_ =	sdelay $0x1  }
0x209: {  	v7 =	vld [tilespmem:s23+$0x83E0]  }
0x20a: {  	v4 =	vmul.f32 v4, v0;
	v5 =	vmul.f32 v5, v1;
	_ =	sdelay $0x1  }
0x20b: {  	v6 =	vmul.f32 v6, v2;
	v4 =	vadd.f32 v5, v4;
	_ =	sdelay $0x1  }
0x20c: {  	v5 =	vmul.f32 v7, v3;
	v4 =	vadd.f32 v6, v4;
	_ =	sdelay $0x1  }
0x20d: {  	v4 =	vadd.f32 v5, v4;
	_ =	sdelay $0x1  }
0x20e: {  	[tilespmem:s26+$0xFFFFFFF0] =	vst v4  }
0x20f: {  	v4 =	vld [tilespmem:s23+$0x8270]  }
0x210: {  	v5 =	vld [tilespmem:s23+$0x82F0];
	_ =	sdelay $0x1  }
0x211: {  	v6 =	vld [tilespmem:s23+$0x8370];
	_ =	sdelay $0x1  }
0x212: {  	v7 =	vld [tilespmem:s23+$0x83F0]  }
0x213: {  	v0 =	vmul.f32 v4, v0;
	v1 =	vmul.f32 v5, v1;
	_ =	sdelay $0x1  }
0x214: {  	v2 =	vmul.f32 v6, v2;
	v0 =	vadd.f32 v1, v0;
	_ =	sdelay $0x1  }
0x215: {  	v1 =	vmul.f32 v7, v3;
	v0 =	vadd.f32 v2, v0;
	_ =	sdelay $0x1  }
0x216: {  	v0 =	vadd.f32 v1, v0;
	_ =	sdelay $0x1  }
0x217: {  	[tilespmem:s26+$0x0] =	vst v0  }
0x218: {  	_ =	swait.ge [sflag:s20], $0x4000  }
0x219: {  	[sflag:s20] =	ssyncset.done $0x0  }
0x21a: {  	s23 =	simm.s32 $0x0;
	[sflag:s20] =	ssyncadd.s32 $0xFFFFC000  }
0x21b: {  	v4 =	vld [tilespmem:s23+$0xC200]  }
0x21c: {  	s24 =	simm.s32 $0x11A30;
	v5 =	vld [tilespmem:s23+$0xC280]  }
0x21d: {  	v0 =	vld [tilespmem:s24+$0xFFFFFFD0]  }
0x21e: {  	v1 =	vld [tilespmem:s24+$0xFFFFFFE0]  }
0x21f: {  	v6 =	vld [tilespmem:s23+$0xC300]  }
0x220: {  	v2 =	vld [tilespmem:s24+$0xFFFFFFF0]  }
0x221: {  	v7 =	vld [tilespmem:s23+$0xC380]  }
0x222: {  	v3 =	vld [tilespmem:s24+$0x0]  }
0x223: {  	v4 =	vmul.f32 v4, v0;
	v5 =	vmul.f32 v5, v1;
	_ =	sdelay $0x1  }
0x224: {  	v4 =	vadd.f32 v5, v4;
	v5 =	vmul.f32 v6, v2;
	_ =	sdelay $0x1  }
0x225: {  	v4 =	vadd.f32 v5, v4;
	v5 =	vmul.f32 v7, v3;
	_ =	sdelay $0x1  }
0x226: {  	v4 =	vadd.f32 v5, v4  }
0x227: {  	s25 =	simm.s32 $0x15270  }
0x228: {  	[tilespmem:s25+$0xFFFFFF90] =	vst v4  }
0x229: {  	v4 =	vld [tilespmem:s23+$0xC210]  }
0x22a: {  	v5 =	vld [tilespmem:s23+$0xC290];
	_ =	sdelay $0x1  }
0x22b: {  	v6 =	vld [tilespmem:s23+$0xC310];
	_ =	sdelay $0x1  }
0x22c: {  	v7 =	vld [tilespmem:s23+$0xC390]  }
0x22d: {  	v4 =	vmul.f32 v4, v0;
	v5 =	vmul.f32 v5, v1;
	_ =	sdelay $0x1  }
0x22e: {  	v6 =	vmul.f32 v6, v2;
	v4 =	vadd.f32 v5, v4;
	_ =	sdelay $0x1  }
0x22f: {  	v5 =	vmul.f32 v7, v3;
	v4 =	vadd.f32 v6, v4;
	_ =	sdelay $0x1  }
0x230: {  	v4 =	vadd.f32 v5, v4;
	_ =	sdelay $0x1  }
0x231: {  	[tilespmem:s25+$0xFFFFFFA0] =	vst v4  }
0x232: {  	v4 =	vld [tilespmem:s23+$0xC220]  }
0x233: {  	v5 =	vld [tilespmem:s23+$0xC2A0];
	_ =	sdelay $0x1  }
0x234: {  	v6 =	vld [tilespmem:s23+$0xC320];
	_ =	sdelay $0x1  }
0x235: {  	v7 =	vld [tilespmem:s23+$0xC3A0]  }
0x236: {  	v4 =	vmul.f32 v4, v0;
	v5 =	vmul.f32 v5, v1;
	_ =	sdelay $0x1  }
0x237: {  	v6 =	vmul.f32 v6, v2;
	v4 =	vadd.f32 v5, v4;
	_ =	sdelay $0x1  }
0x238: {  	v5 =	vmul.f32 v7, v3;
	v4 =	vadd.f32 v6, v4;
	_ =	sdelay $0x1  }
0x239: {  	v4 =	vadd.f32 v5, v4;
	_ =	sdelay $0x1  }
0x23a: {  	[tilespmem:s25+$0xFFFFFFB0] =	vst v4  }
0x23b: {  	v4 =	vld [tilespmem:s23+$0xC230]  }
0x23c: {  	v5 =	vld [tilespmem:s23+$0xC2B0];
	_ =	sdelay $0x1  }
0x23d: {  	v6 =	vld [tilespmem:s23+$0xC330];
	_ =	sdelay $0x1  }
0x23e: {  	v7 =	vld [tilespmem:s23+$0xC3B0]  }
0x23f: {  	v4 =	vmul.f32 v4, v0;
	v5 =	vmul.f32 v5, v1;
	_ =	sdelay $0x1  }
0x240: {  	v6 =	vmul.f32 v6, v2;
	v4 =	vadd.f32 v5, v4;
	_ =	sdelay $0x1  }
0x241: {  	v5 =	vmul.f32 v7, v3;
	v4 =	vadd.f32 v6, v4;
	_ =	sdelay $0x1  }
0x242: {  	v4 =	vadd.f32 v5, v4;
	_ =	sdelay $0x1  }
0x243: {  	[tilespmem:s25+$0xFFFFFFC0] =	vst v4  }
0x244: {  	v4 =	vld [tilespmem:s23+$0xC240]  }
0x245: {  	v5 =	vld [tilespmem:s23+$0xC2C0];
	_ =	sdelay $0x1  }
0x246: {  	v6 =	vld [tilespmem:s23+$0xC340];
	_ =	sdelay $0x1  }
0x247: {  	v7 =	vld [tilespmem:s23+$0xC3C0]  }
0x248: {  	v4 =	vmul.f32 v4, v0;
	v5 =	vmul.f32 v5, v1;
	_ =	sdelay $0x1  }
0x249: {  	v6 =	vmul.f32 v6, v2;
	v4 =	vadd.f32 v5, v4;
	_ =	sdelay $0x1  }
0x24a: {  	v5 =	vmul.f32 v7, v3;
	v4 =	vadd.f32 v6, v4;
	_ =	sdelay $0x1  }
0x24b: {  	v4 =	vadd.f32 v5, v4;
	_ =	sdelay $0x1  }
0x24c: {  	[tilespmem:s25+$0xFFFFFFD0] =	vst v4  }
0x24d: {  	v4 =	vld [tilespmem:s23+$0xC250]  }
0x24e: {  	v5 =	vld [tilespmem:s23+$0xC2D0];
	_ =	sdelay $0x1  }
0x24f: {  	v6 =	vld [tilespmem:s23+$0xC350];
	_ =	sdelay $0x1  }
0x250: {  	v7 =	vld [tilespmem:s23+$0xC3D0]  }
0x251: {  	v4 =	vmul.f32 v4, v0;
	v5 =	vmul.f32 v5, v1;
	_ =	sdelay $0x1  }
0x252: {  	v6 =	vmul.f32 v6, v2;
	v4 =	vadd.f32 v5, v4;
	_ =	sdelay $0x1  }
0x253: {  	s28 =	simm.s32 $0x800;
	s26 =	simm.s32 $0x15270;
	v5 =	vmul.f32 v7, v3;
	v4 =	vadd.f32 v6, v4  }
.LBB2_8:
0x254: {  	p0 =	sne.s32 s28, $0xF800;
	s25 =	sadd.s32 $0x80, s25;
	s24 =	sadd.s32 $0x40, s24  }
0x255: {  	s29 =	smov.u32 s28;
	s28 =	sadd.s32 $0x800, s28;
	v4 =	vadd.f32 v5, v4;
	_ =	sdelay $0x1  }
0x256: {  	[tilespmem:s26+$0xFFFFFFE0] =	vst v4  }
0x257: {  	v4 =	vld [tilespmem:s23+$0xC260]  }
0x258: {  	v5 =	vld [tilespmem:s23+$0xC2E0]  }
0x259: {  	v6 =	vld [tilespmem:s23+$0xC360]  }
0x25a: {  	v7 =	vld [tilespmem:s23+$0xC3E0];
	_ =	sdelay $0x1  }
0x25b: {  	v4 =	vmul.f32 v4, v0  }
0x25c: {  	s29 =	sshra.s32 s29, $0x2;
	v5 =	vmul.f32 v5, v1  }
0x25d: {  	v6 =	vmul.f32 v6, v2  }
0x25e: {  	v4 =	vadd.f32 v5, v4;
	_ =	sdelay $0x1  }
0x25f: {  	v5 =	vmul.f32 v7, v3;
	v4 =	vadd.f32 v6, v4;
	_ =	sdelay $0x1  }
0x260: {  	v4 =	vadd.f32 v5, v4;
	_ =	sdelay $0x1  }
0x261: {  	[tilespmem:s26+$0xFFFFFFF0] =	vst v4  }
0x262: {  	v4 =	vld [tilespmem:s23+$0xC270]  }
0x263: {  	v5 =	vld [tilespmem:s23+$0xC2F0]  }
0x264: {  	v6 =	vld [tilespmem:s23+$0xC370]  }
0x265: {  	v7 =	vld [tilespmem:s23+$0xC3F0];
	s23 =	smov.u32 s29;
	_ =	sdelay $0x1  }
0x266: {  	v0 =	vmul.f32 v4, v0  }
0x267: {  	v1 =	vmul.f32 v5, v1  }
0x268: {  	v2 =	vmul.f32 v6, v2  }
0x269: {  	v0 =	vadd.f32 v1, v0  }
0x26a: {  	v1 =	vmul.f32 v7, v3  }
0x26b: {  	v0 =	vadd.f32 v2, v0;
	_ =	sdelay $0x1  }
0x26c: {  	v0 =	vadd.f32 v1, v0;
	_ =	sdelay $0x1  }
0x26d: {  	[tilespmem:s26+$0x0] =	vst v0;
	s26 =	smov.u32 s25  }
0x26e: {  	v4 =	vld [tilespmem:s23+$0xC200]  }
0x26f: {  	v5 =	vld [tilespmem:s23+$0xC280]  }
0x270: {  	v0 =	vld [tilespmem:s24+$0xFFFFFFD0]  }
0x271: {  	v1 =	vld [tilespmem:s24+$0xFFFFFFE0]  }
0x272: {  	v6 =	vld [tilespmem:s23+$0xC300]  }
0x273: {  	v2 =	vld [tilespmem:s24+$0xFFFFFFF0]  }
0x274: {  	v7 =	vld [tilespmem:s23+$0xC380]  }
0x275: {  	v3 =	vld [tilespmem:s24+$0x0];
	v4 =	vmul.f32 v4, v0  }
0x276: {  	v5 =	vmul.f32 v5, v1;
	_ =	sdelay $0x1  }
0x277: {  	v4 =	vadd.f32 v5, v4;
	v5 =	vmul.f32 v6, v2;
	_ =	sdelay $0x1  }
0x278: {  	v4 =	vadd.f32 v5, v4;
	v5 =	vmul.f32 v7, v3;
	_ =	sdelay $0x1  }
0x279: {  	v4 =	vadd.f32 v5, v4;
	_ =	sdelay $0x1  }
0x27a: {  	[tilespmem:s25+$0xFFFFFF90] =	vst v4  }
0x27b: {  	v4 =	vld [tilespmem:s23+$0xC210]  }
0x27c: {  	v5 =	vld [tilespmem:s23+$0xC290]  }
0x27d: {  	v6 =	vld [tilespmem:s23+$0xC310];
	_ =	sdelay $0x2  }
0x27e: {  	v4 =	vmul.f32 v4, v0;
	v7 =	vld [tilespmem:s23+$0xC390]  }
0x27f: {  	v5 =	vmul.f32 v5, v1  }
0x280: {  	v6 =	vmul.f32 v6, v2  }
0x281: {  	v4 =	vadd.f32 v5, v4;
	_ =	sdelay $0x1  }
0x282: {  	v4 =	vadd.f32 v6, v4;
	v5 =	vmul.f32 v7, v3;
	_ =	sdelay $0x1  }
0x283: {  	v4 =	vadd.f32 v5, v4;
	_ =	sdelay $0x1  }
0x284: {  	[tilespmem:s25+$0xFFFFFFA0] =	vst v4  }
0x285: {  	v4 =	vld [tilespmem:s23+$0xC220]  }
0x286: {  	v5 =	vld [tilespmem:s23+$0xC2A0]  }
0x287: {  	v6 =	vld [tilespmem:s23+$0xC320];
	_ =	sdelay $0x2  }
0x288: {  	v4 =	vmul.f32 v4, v0;
	v7 =	vld [tilespmem:s23+$0xC3A0]  }
0x289: {  	v5 =	vmul.f32 v5, v1  }
0x28a: {  	v6 =	vmul.f32 v6, v2  }
0x28b: {  	v4 =	vadd.f32 v5, v4;
	_ =	sdelay $0x1  }
0x28c: {  	v4 =	vadd.f32 v6, v4;
	v5 =	vmul.f32 v7, v3;
	_ =	sdelay $0x1  }
0x28d: {  	v4 =	vadd.f32 v5, v4;
	_ =	sdelay $0x1  }
0x28e: {  	[tilespmem:s25+$0xFFFFFFB0] =	vst v4  }
0x28f: {  	v4 =	vld [tilespmem:s23+$0xC230]  }
0x290: {  	v5 =	vld [tilespmem:s23+$0xC2B0]  }
0x291: {  	v6 =	vld [tilespmem:s23+$0xC330];
	_ =	sdelay $0x2  }
0x292: {  	v4 =	vmul.f32 v4, v0;
	v7 =	vld [tilespmem:s23+$0xC3B0]  }
0x293: {  	v5 =	vmul.f32 v5, v1  }
0x294: {  	v6 =	vmul.f32 v6, v2  }
0x295: {  	v4 =	vadd.f32 v5, v4;
	_ =	sdelay $0x1  }
0x296: {  	v4 =	vadd.f32 v6, v4;
	v5 =	vmul.f32 v7, v3;
	_ =	sdelay $0x1  }
0x297: {  	v4 =	vadd.f32 v5, v4;
	_ =	sdelay $0x1  }
0x298: {  	[tilespmem:s25+$0xFFFFFFC0] =	vst v4  }
0x299: {  	v4 =	vld [tilespmem:s23+$0xC240]  }
0x29a: {  	v5 =	vld [tilespmem:s23+$0xC2C0]  }
0x29b: {  	v6 =	vld [tilespmem:s23+$0xC340]  }
0x29c: {  	v7 =	vld [tilespmem:s23+$0xC3C0];
	_ =	sdelay $0x1  }
0x29d: {  	v4 =	vmul.f32 v4, v0  }
0x29e: {  	v5 =	vmul.f32 v5, v1  }
0x29f: {  	v6 =	vmul.f32 v6, v2  }
0x2a0: {  	v4 =	vadd.f32 v5, v4;
	_ =	sdelay $0x1  }
0x2a1: {  	v5 =	vmul.f32 v7, v3;
	v4 =	vadd.f32 v6, v4;
	_ =	sdelay $0x1  }
0x2a2: {  	v4 =	vadd.f32 v5, v4;
	_ =	sdelay $0x1  }
0x2a3: {  	[tilespmem:s25+$0xFFFFFFD0] =	vst v4  }
0x2a4: {  	v4 =	vld [tilespmem:s23+$0xC250]  }
0x2a5: {  	v5 =	vld [tilespmem:s23+$0xC2D0]  }
0x2a6: {  	v6 =	vld [tilespmem:s23+$0xC350]  }
0x2a7: {  	v7 =	vld [tilespmem:s23+$0xC3D0];
	_ =	sdelay $0x1  }
0x2a8: {  	v4 =	vmul.f32 v4, v0  }
.Ltmp3:
0x2a9: {  	v5 =	vmul.f32 v5, v1;
	(pc) =	sbr.rel @p0 .LBB2_8-.Ltmp3, $3  }
0x2aa: {  	v6 =	vmul.f32 v6, v2  }
0x2ab: {  	v4 =	vadd.f32 v5, v4;
	_ =	sdelay $0x1  }
0x2ac: {  	v5 =	vmul.f32 v7, v3;
	v4 =	vadd.f32 v6, v4  }
0x2ad: {  	_ = 	snop  }
0x2ae: {  	v4 =	vadd.f32 v5, v4;
	_ =	sdelay $0x1  }
0x2af: {  	[tilespmem:s26+$0xFFFFFFE0] =	vst v4  }
0x2b0: {  	v4 =	vld [tilespmem:s23+$0xC260]  }
0x2b1: {  	v55 =	vld [tilespmem:s23+$0xC2E0];
	_ =	sdelay $0x1  }
0x2b2: {  	v6 =	vld [tilespmem:s23+$0xC360];
	_ =	sdelay $0x1  }
0x2b3: {  	v7 =	vld [tilespmem:s23+$0xC3E0]  }
0x2b4: {  	v4 =	vmul.f32 v4, v0;
	v5 =	vmul.f32 v55, v1;
	_ =	sdelay $0x1  }
0x2b5: {  	v6 =	vmul.f32 v6, v2;
	v4 =	vadd.f32 v5, v4;
	_ =	sdelay $0x1  }
0x2b6: {  	v56 =	vmul.f32 v7, v3;
	v4 =	vadd.f32 v6, v4;
	_ =	sdelay $0x1  }
0x2b7: {  	v4 =	vadd.f32 v56, v4;
	_ =	sdelay $0x1  }
0x2b8: {  	[tilespmem:s26+$0xFFFFFFF0] =	vst v4  }
0x2b9: {  	v4 =	vld [tilespmem:s23+$0xC270]  }
0x2ba: {  	v57 =	vld [tilespmem:s23+$0xC2F0];
	_ =	sdelay $0x1  }
0x2bb: {  	v58 =	vld [tilespmem:s23+$0xC370];
	_ =	sdelay $0x1  }
0x2bc: {  	v59 =	vld [tilespmem:s23+$0xC3F0]  }
0x2bd: {  	v60 =	vmul.f32 v4, v0;
	v61 =	vmul.f32 v57, v1;
	_ =	sdelay $0x1  }
0x2be: {  	v62 =	vmul.f32 v58, v2;
	v0 =	vadd.f32 v61, v60;
	_ =	sdelay $0x1  }
0x2bf: {  	v63 =	vmul.f32 v59, v3;
	v0 =	vadd.f32 v62, v0;
	_ =	sdelay $0x1  }
0x2c0: {  	s22 =	sadd.s32 $0x1, s22;
	v0 =	vadd.f32 v63, v0  }
0x2c1: {  	p0 =	sne.s32 s22, s7  }
.Ltmp4:
0x2c2: {  	[tilespmem:s26+$0x0] =	vst v0;
	(pc) =	sbr.rel @p0 .LBB2_1-.Ltmp4, $4  }
0x2c3: {  	[hbm4b:s6+s2] =	stream.linear.scatter [tilespmem:s21], [sflag:$0x5], $0x4000, $0x38;
	[tilespmem:$0x16200] =	vst v63  }
0x2c4: {  	_ =	swait.ge [sflag:s8], $0x4000  }
0x2c5: {  	[sflag:s8] =	ssyncset.done $0x0  }
0x2c6: {  	[sflag:s8] =	ssyncadd.s32 $0xFFFFC000  }
0x2c7: {  	_ =	sfence.sel $0x180000  }
0x2c8: {  	[bflag:$0x0] =	sbarrier.arrive $0xFFFF  }
0x2c9: {  	p0 =	sne.s32 s1, $0x0;
	_ =	strace $0x90000047  }
0x2ca: {  	s0 =	sadd.s32 @!p0 $0x100000, s0;
	[bflag:$0x2] =	sbarrier.arrive $0xFFFF  }
0x2cb: {  	[sflag:s0] =	ssyncadd.tile.s32 @!p0 $0x1;
	_ =	shalt  }
.Lfunc_end2:
_tile_overlayer_lowered:
.L_overlay_start_2:
0x2cc: {  	(tag) =	ssettag $0x2  }
0x2cd: {  	s0 =	rddreg [dreg:$0x0];
	s2 =	stileid.u32  }
0x2ce: {  	s1 =	rddreg [dreg:$0x1];
	p0 =	sne.s32 s2, $0x0  }
0x2cf: {  	s3 =	rddreg [dreg:$0x2];
	[bflag:$0x3] =	sbarrier.arrive $0xFFFF;
	s2 =	simm.s32 @!p0 $0x1C05  }
0x2d0: {  	[timem:s3], [sflag:s2] =	dma.local @!p0 [hbm:s0], s1  }
0x2d1: {  	s0 =	simm.s32 @!p0 $0x5  }
0x2d2: {  	_ =	swait.ge @!p0 [sflag:s0], s1  }
0x2d3: {  	s1 =	ssub.s32 @!p0 $0x0, s1;
	[sflag:s0] =	ssyncset.done @!p0 $0x0  }
0x2d4: {  	[sflag:s0] =	ssyncadd.s32 @!p0 s1  }
0x2d5: {  	[bflag:$0x3] =	sbarrier.arrive $0xFFFF  }
0x2d6: {  	_ =	shalt  }

</sc_bundles>
